<compile_context>
chip_gen: v7x
topology: tpu7x:2x2x1
jax: 0.10.2.dev20260603
libtpu: 0.0.44.dev20260713+nightly
codegen_flags: <defaults>
</compile_context>

<pallas_src>
import functools

import jax
import jax.numpy as jnp
from jax import lax
from jax.experimental import pallas as pl
from jax.experimental.pallas import tpu as pltpu
from jax.experimental.pallas import tpu_sc as plsc

N_NODES = 10000
D_FEAT = 256
H1 = 128
H2 = 64
N_EDGES = 320000

NW = 32

BM = 1000
DEC_BM = 200



def _mm1_body(x_ref, w_ref, o_ref):
    o_ref[...] = jnp.dot(x_ref[...], w_ref[...],
                         preferred_element_type=jnp.float32)


def _mid_body(h_ref, nz_ref, w_ref, o_ref):
    noisy = jnp.maximum(h_ref[...], 0.0) + nz_ref[...]
    o_ref[...] = jnp.dot(noisy, w_ref[...],
                         preferred_element_type=jnp.float32)


def _dec_body(a_ref, b_ref, o_ref):
    o_ref[...] = jax.lax.dot_general(
        a_ref[...], b_ref[...],
        (((1,), (1,)), ((), ())),
        preferred_element_type=jnp.float32)


def _mm1(x, w):
    return pl.pallas_call(
        _mm1_body,
        grid=(N_NODES // BM,),
        in_specs=[
            pl.BlockSpec((BM, D_FEAT), lambda i: (i, 0)),
            pl.BlockSpec((D_FEAT, H1), lambda i: (0, 0)),
        ],
        out_specs=pl.BlockSpec((BM, H1), lambda i: (i, 0)),
        out_shape=jax.ShapeDtypeStruct((N_NODES, H1), jnp.float32),
    )(x, w)


def _mid(h1, noise, w2):
    return pl.pallas_call(
        _mid_body,
        grid=(N_NODES // BM,),
        in_specs=[
            pl.BlockSpec((BM, H1), lambda i: (i, 0)),
            pl.BlockSpec((BM, H1), lambda i: (i, 0)),
            pl.BlockSpec((H1, H2), lambda i: (0, 0)),
        ],
        out_specs=pl.BlockSpec((BM, H2), lambda i: (i, 0)),
        out_shape=jax.ShapeDtypeStruct((N_NODES, H2), jnp.float32),
    )(h1, noise, w2)


def _decoder(z):
    out = pl.pallas_call(
        _dec_body,
        grid=(N_NODES // DEC_BM,),
        in_specs=[
            pl.BlockSpec((DEC_BM, H2), lambda i: (i, 0)),
            pl.BlockSpec((N_NODES, H2), lambda i: (0, 0)),
        ],
        out_specs=pl.BlockSpec((DEC_BM, N_NODES), lambda i: (i, 0)),
        out_shape=jax.ShapeDtypeStruct((N_NODES, N_NODES), jnp.float32),
    )(z, z)
    return out.reshape(-1)



def _permute(v, idx):
    return lax.gather(
        v, idx[:, None],
        lax.GatherDimensionNumbers(
            offset_dims=(), collapsed_slice_dims=(0,),
            start_index_map=(0,)),
        (1,),
        mode=lax.GatherScatterMode.PROMISE_IN_BOUNDS)


def _make_spmm(H):
    CPT = H // NW
    EPV = 16 // CPT
    CHUNK = 16000
    NCHUNKS = N_EDGES // CHUNK

    mesh = plsc.VectorSubcoreMesh(core_axis_name="c", subcore_axis_name="s",
                                  num_cores=2, num_subcores=16)

    @functools.partial(
        pl.kernel,
        out_type=jax.ShapeDtypeStruct((NW, N_NODES * CPT), jnp.float32),
        mesh=mesh,
        scratch_types=[
            pltpu.VMEM((2 * CHUNK,), jnp.uint32),
            pltpu.VMEM((N_NODES * CPT,), jnp.float32),
            pltpu.VMEM((N_NODES * CPT,), jnp.float32),
            pltpu.SemaphoreType.DMA,
            pltpu.SemaphoreType.DMA,
        ],
        compiler_params=pltpu.CompilerParams(needs_layout_passes=False),
    )
    def spmm(ep_hbm, table_hbm, out_hbm,
             epb, tbl, acc, sem_in, sem_t):
        wid = lax.axis_index("s") * 2 + lax.axis_index("c")

        iota16 = lax.iota(jnp.int32, 16)
        lmod = jnp.remainder(iota16, CPT).astype(jnp.uint32)
        pats = [iota16 // CPT + k * EPV for k in range(CPT)]

        tload = pltpu.async_copy(table_hbm.at[wid], tbl, sem_t)

        zf = jnp.zeros((16,), jnp.float32)

        @plsc.parallel_loop(0, N_NODES * CPT // 16, unroll=8)
        def zero_acc(i):
            acc[pl.ds(i * 16, 16)] = zf

        def issue_in(c, slot):
            pltpu.async_copy(ep_hbm.at[pl.ds(c * CHUNK, CHUNK)],
                             epb.at[pl.ds(slot * CHUNK, CHUNK)], sem_in)

        def wait_in(slot):
            pltpu.make_async_copy(
                ep_hbm.at[pl.ds(0, CHUNK)],
                epb.at[pl.ds(slot * CHUNK, CHUNK)], sem_in).wait()

        issue_in(0, 0)
        tload.wait()

        def chunk_body(c, _):
            slot = lax.rem(c, 2)
            nxt = lax.rem(c + 1, NCHUNKS)
            wait_in(slot)
            issue_in(nxt, lax.rem(c + 1, 2))

            off0 = slot * CHUNK

            @plsc.parallel_loop(0, CHUNK // 16, unroll=2)
            def edge_vec(i):
                p = epb[pl.ds(off0 + i * 16, 16)]
                for k in range(CPT):
                    pp = _permute(p, pats[k])
                    si = plsc.bitcast((pp >> 16) + lmod, jnp.int32)
                    di = plsc.bitcast((pp & 0xFFFF) + lmod, jnp.int32)
                    v = plsc.load_gather(tbl, [si])
                    plsc.addupdate_scatter(acc, [di], v)
            return _

        lax.fori_loop(0, NCHUNKS, chunk_body, None)

        wait_in(lax.rem(jnp.int32(NCHUNKS), 2))

        pltpu.sync_copy(acc, out_hbm.at[wid])

    def wrapped(ep, table):
        table_p = table.reshape(N_NODES, NW, CPT).transpose(1, 0, 2)
        out_p = spmm(ep, table_p.reshape(NW, N_NODES * CPT))
        return (out_p.reshape(NW, N_NODES, CPT)
                .transpose(1, 0, 2).reshape(N_NODES, H))

    def pack(src, dst):
        s = src.astype(jnp.uint32) * CPT
        d = dst.astype(jnp.uint32) * CPT
        return (s << 16) | d

    wrapped.pack = pack

    return wrapped


_spmm128 = _make_spmm(H1)
_spmm64 = _make_spmm(H2)


def kernel(features, edge_index, W1, W2):
    src = edge_index[0]
    dst = edge_index[1]
    ep128 = _spmm128.pack(src, dst)
    ep64 = _spmm64.pack(src, dst)
    xw = _mm1(features, W1)
    h1 = _spmm128(ep128, xw)
    noise = 0.1 * jax.random.normal(jax.random.key(42), (N_NODES, H1),
                                    dtype=jnp.float32)
    hw = _mid(h1, noise, W2)
    z = _spmm64(ep64, hw)
    return _decoder(z)

# --- scband reference (transcript-rebuilt; emitter-appended) ---
"""Pipeline reference for scband-arga-27530740368066 (READ-ONLY COPY).

The authoritative reference and input builder live on the scoring server;
editing this copy changes nothing except your own understanding.
"""

import jax, jax.numpy as jnp
import numpy as np

N = 10000
D_FEAT = 256
H1 = 128
H2 = 64
E = 320000


def setup_inputs(seed: int = 0) -> dict:
    key = jax.random.key(seed)
    k1, k2, k3, k4 = jax.random.split(key, 4)
    features = jax.random.normal(k1, (N, D_FEAT), dtype=jnp.float32)
    edge_index = jax.random.randint(k2, (2, E), 0, N, dtype=jnp.int64)
    # Glorot-style init like the original weight_variable_glorot
    r1 = jnp.sqrt(6.0 / (D_FEAT + H1))
    W1 = jax.random.uniform(k3, (D_FEAT, H1), minval=-r1, maxval=r1, dtype=jnp.float32)
    r2 = jnp.sqrt(6.0 / (H1 + H2))
    W2 = jax.random.uniform(k4, (H1, H2), minval=-r2, maxval=r2, dtype=jnp.float32)
    return {"features": features, "edge_index": edge_index, "W1": W1, "W2": W2}


def _spmm(edge_index, h):
    # adj @ h with sparse adjacency given as edge list (unit edge weights)
    src = edge_index[0]
    dst = edge_index[1]
    msg = jnp.take(h, src, axis=0)
    return jax.ops.segment_sum(msg, dst, num_segments=N)


def reference(features, edge_index, W1, W2):
    # GraphConvolutionSparse: hidden1 = relu(adj @ (x @ W1)); dropout = 0
    xw = features @ W1
    hidden1 = jax.nn.relu(_spmm(edge_index, xw))
    # gaussian_noise_layer(hidden1, 0.1)
    nkey = jax.random.key(42)
    noise = 0.1 * jax.random.normal(nkey, hidden1.shape, dtype=jnp.float32)
    noisy = hidden1 + noise
    # GraphConvolution: embeddings = adj @ (noisy @ W2), linear act
    hw = noisy @ W2
    embeddings = _spmm(edge_index, hw)
    # InnerProductDecoder: flatten(z @ z.T), linear act, dropout = 0
    reconstructions = jnp.reshape(embeddings @ embeddings.T, (-1,))
    return reconstructions

if __name__ == "__main__":
    import jax
    _d = setup_inputs()
    print(jax.jit(kernel)(*tuple(_d.values())))

</pallas_src>

<mosaic_0001>
#map = affine_map<(d0, d1) -> (0)>
#map1 = affine_map<(d0, d1) -> (0, 0)>
module attributes {stable_mosaic.version = 14 : i64} {
  func.func @spmm(%arg0: i32, %arg1: i32, %arg2: memref<320000xi32, #tpu.memory_space<hbm>>, %arg3: memref<32x40000xf32, #tpu.memory_space<hbm>>, %arg4: memref<32x40000xf32, #tpu.memory_space<hbm>>, %arg5: memref<32000xi32, #tpu.memory_space<vmem>>, %arg6: memref<40000xf32, #tpu.memory_space<vmem>>, %arg7: memref<40000xf32, #tpu.memory_space<vmem>>, %arg8: memref<!tpu.dma_semaphore, #tpu.memory_space<semaphore_mem>>, %arg9: memref<!tpu.dma_semaphore, #tpu.memory_space<semaphore_mem>>) attributes {dimension_semantics = [#tpu.dimension_semantics<core_parallel>, #tpu.dimension_semantics<subcore_parallel>], iteration_bounds = array<i64: 2, 16>, scalar_prefetch = 0 : i64, scratch_operands = 5 : i64, tpu.core_type = #tpu.core_type<sc_vector_subcore>, window_params = [{transform_indices = #map}, {transform_indices = #map1}, {transform_indices = #map1}]} {
    %mul3A = arith.constant 2 : i32
    %mul3A_0 = arith.muli %arg1, %mul3A : i32
    %add3A = arith.addi %mul3A_0, %arg0 : i32
    %iota3A = tpu.iota {dimensions = array<i32: 0>} : vector<16xi32>
    %jit3A = arith.constant 4 : i32
    %eq3A = arith.constant 0 : i32
    %eq3A_1 = arith.cmpi eq, %jit3A, %eq3A : i32
    %jit3A_2 = arith.constant 1 : i32
    %select_n3A = arith.select %eq3A_1, %jit3A_2, %jit3A : i32
    %rem3A = vector.broadcast %select_n3A : i32 to vector<16xi32>
    %rem3A_3 = arith.remsi %iota3A, %rem3A : vector<16xi32>
    %ne3A = arith.constant 0 : i32
    %ne3A_4 = vector.broadcast %ne3A : i32 to vector<16xi32>
    %ne3A_5 = arith.cmpi ne, %rem3A_3, %ne3A_4 : vector<16xi32>
    %lt3A = arith.constant 0 : i32
    %lt3A_6 = vector.broadcast %lt3A : i32 to vector<16xi32>
    %lt3A_7 = arith.cmpi slt, %rem3A_3, %lt3A_6 : vector<16xi32>
    %lt3A_8 = arith.constant 0 : i32
    %lt3A_9 = arith.cmpi slt, %select_n3A, %lt3A_8 : i32
    %ne3A_10 = vector.broadcast %lt3A_9 : i1 to vector<16xi1>
    %ne3A_11 = vector.broadcast %ne3A_10 : vector<16xi1> to vector<16xi1>
    %ne3A_12 = arith.xori %lt3A_7, %ne3A_11 : vector<16xi1>
    %and3A = arith.andi %ne3A_12, %ne3A_5 : vector<16xi1>
    %add3A_13 = vector.broadcast %select_n3A : i32 to vector<16xi32>
    %add3A_14 = arith.addi %rem3A_3, %add3A_13 : vector<16xi32>
    %select_n3A_15 = arith.select %and3A, %add3A_14, %rem3A_3 : vector<16xi1>, vector<16xi32>
    %jit3A_16 = arith.constant 4 : i32
    %div3A = vector.broadcast %jit3A_16 : i32 to vector<16xi32>
    %div3A_17 = arith.divsi %iota3A, %div3A : vector<16xi32>
    %sign3A = arith.constant 0 : i32
    %sign3A_18 = vector.broadcast %sign3A : i32 to vector<16xi32>
    %sign3A_19 = arith.cmpi sgt, %iota3A, %sign3A_18 : vector<16xi32>
    %sign3A_20 = arith.extui %sign3A_19 : vector<16xi1> to vector<16xi32>
    %sign3A_21 = arith.constant 0 : i32
    %sign3A_22 = vector.broadcast %sign3A_21 : i32 to vector<16xi32>
    %sign3A_23 = arith.cmpi slt, %iota3A, %sign3A_22 : vector<16xi32>
    %sign3A_24 = arith.extui %sign3A_23 : vector<16xi1> to vector<16xi32>
    %sign3A_25 = arith.subi %sign3A_20, %sign3A_24 : vector<16xi32>
    %sign3A_26 = arith.constant 0 : i32
    %sign3A_27 = arith.cmpi sgt, %jit3A_16, %sign3A_26 : i32
    %sign3A_28 = arith.extui %sign3A_27 : i1 to i32
    %sign3A_29 = arith.constant 0 : i32
    %sign3A_30 = arith.cmpi slt, %jit3A_16, %sign3A_29 : i32
    %sign3A_31 = arith.extui %sign3A_30 : i1 to i32
    %sign3A_32 = arith.subi %sign3A_28, %sign3A_31 : i32
    %ne3A_33 = vector.broadcast %sign3A_32 : i32 to vector<16xi32>
    %ne3A_34 = arith.cmpi ne, %sign3A_25, %ne3A_33 : vector<16xi32>
    %rem3A_35 = vector.broadcast %jit3A_16 : i32 to vector<16xi32>
    %rem3A_36 = arith.remsi %iota3A, %rem3A_35 : vector<16xi32>
    %ne3A_37 = arith.constant 0 : i32
    %ne3A_38 = vector.broadcast %ne3A_37 : i32 to vector<16xi32>
    %ne3A_39 = arith.cmpi ne, %rem3A_36, %ne3A_38 : vector<16xi32>
    %and3A_40 = arith.andi %ne3A_34, %ne3A_39 : vector<16xi1>
    %sub3A = arith.constant 1 : i32
    %sub3A_41 = vector.broadcast %sub3A : i32 to vector<16xi32>
    %sub3A_42 = arith.subi %div3A_17, %sub3A_41 : vector<16xi32>
    %select_n3A_43 = arith.select %and3A_40, %sub3A_42, %div3A_17 : vector<16xi1>, vector<16xi32>
    %add3A_44 = arith.constant 0 : i32
    %add3A_45 = vector.broadcast %add3A_44 : i32 to vector<16xi32>
    %add3A_46 = arith.addi %select_n3A_43, %add3A_45 : vector<16xi32>
    %jit3A_47 = arith.constant 4 : i32
    %div3A_48 = vector.broadcast %jit3A_47 : i32 to vector<16xi32>
    %div3A_49 = arith.divsi %iota3A, %div3A_48 : vector<16xi32>
    %sign3A_50 = arith.constant 0 : i32
    %sign3A_51 = vector.broadcast %sign3A_50 : i32 to vector<16xi32>
    %sign3A_52 = arith.cmpi sgt, %iota3A, %sign3A_51 : vector<16xi32>
    %sign3A_53 = arith.extui %sign3A_52 : vector<16xi1> to vector<16xi32>
    %sign3A_54 = arith.constant 0 : i32
    %sign3A_55 = vector.broadcast %sign3A_54 : i32 to vector<16xi32>
    %sign3A_56 = arith.cmpi slt, %iota3A, %sign3A_55 : vector<16xi32>
    %sign3A_57 = arith.extui %sign3A_56 : vector<16xi1> to vector<16xi32>
    %sign3A_58 = arith.subi %sign3A_53, %sign3A_57 : vector<16xi32>
    %sign3A_59 = arith.constant 0 : i32
    %sign3A_60 = arith.cmpi sgt, %jit3A_47, %sign3A_59 : i32
    %sign3A_61 = arith.extui %sign3A_60 : i1 to i32
    %sign3A_62 = arith.constant 0 : i32
    %sign3A_63 = arith.cmpi slt, %jit3A_47, %sign3A_62 : i32
    %sign3A_64 = arith.extui %sign3A_63 : i1 to i32
    %sign3A_65 = arith.subi %sign3A_61, %sign3A_64 : i32
    %ne3A_66 = vector.broadcast %sign3A_65 : i32 to vector<16xi32>
    %ne3A_67 = arith.cmpi ne, %sign3A_58, %ne3A_66 : vector<16xi32>
    %rem3A_68 = vector.broadcast %jit3A_47 : i32 to vector<16xi32>
    %rem3A_69 = arith.remsi %iota3A, %rem3A_68 : vector<16xi32>
    %ne3A_70 = arith.constant 0 : i32
    %ne3A_71 = vector.broadcast %ne3A_70 : i32 to vector<16xi32>
    %ne3A_72 = arith.cmpi ne, %rem3A_69, %ne3A_71 : vector<16xi32>
    %and3A_73 = arith.andi %ne3A_67, %ne3A_72 : vector<16xi1>
    %sub3A_74 = arith.constant 1 : i32
    %sub3A_75 = vector.broadcast %sub3A_74 : i32 to vector<16xi32>
    %sub3A_76 = arith.subi %div3A_49, %sub3A_75 : vector<16xi32>
    %select_n3A_77 = arith.select %and3A_73, %sub3A_76, %div3A_49 : vector<16xi1>, vector<16xi32>
    %add3A_78 = arith.constant 4 : i32
    %add3A_79 = vector.broadcast %add3A_78 : i32 to vector<16xi32>
    %add3A_80 = arith.addi %select_n3A_77, %add3A_79 : vector<16xi32>
    %jit3A_81 = arith.constant 4 : i32
    %div3A_82 = vector.broadcast %jit3A_81 : i32 to vector<16xi32>
    %div3A_83 = arith.divsi %iota3A, %div3A_82 : vector<16xi32>
    %sign3A_84 = arith.constant 0 : i32
    %sign3A_85 = vector.broadcast %sign3A_84 : i32 to vector<16xi32>
    %sign3A_86 = arith.cmpi sgt, %iota3A, %sign3A_85 : vector<16xi32>
    %sign3A_87 = arith.extui %sign3A_86 : vector<16xi1> to vector<16xi32>
    %sign3A_88 = arith.constant 0 : i32
    %sign3A_89 = vector.broadcast %sign3A_88 : i32 to vector<16xi32>
    %sign3A_90 = arith.cmpi slt, %iota3A, %sign3A_89 : vector<16xi32>
    %sign3A_91 = arith.extui %sign3A_90 : vector<16xi1> to vector<16xi32>
    %sign3A_92 = arith.subi %sign3A_87, %sign3A_91 : vector<16xi32>
    %sign3A_93 = arith.constant 0 : i32
    %sign3A_94 = arith.cmpi sgt, %jit3A_81, %sign3A_93 : i32
    %sign3A_95 = arith.extui %sign3A_94 : i1 to i32
    %sign3A_96 = arith.constant 0 : i32
    %sign3A_97 = arith.cmpi slt, %jit3A_81, %sign3A_96 : i32
    %sign3A_98 = arith.extui %sign3A_97 : i1 to i32
    %sign3A_99 = arith.subi %sign3A_95, %sign3A_98 : i32
    %ne3A_100 = vector.broadcast %sign3A_99 : i32 to vector<16xi32>
    %ne3A_101 = arith.cmpi ne, %sign3A_92, %ne3A_100 : vector<16xi32>
    %rem3A_102 = vector.broadcast %jit3A_81 : i32 to vector<16xi32>
    %rem3A_103 = arith.remsi %iota3A, %rem3A_102 : vector<16xi32>
    %ne3A_104 = arith.constant 0 : i32
    %ne3A_105 = vector.broadcast %ne3A_104 : i32 to vector<16xi32>
    %ne3A_106 = arith.cmpi ne, %rem3A_103, %ne3A_105 : vector<16xi32>
    %and3A_107 = arith.andi %ne3A_101, %ne3A_106 : vector<16xi1>
    %sub3A_108 = arith.constant 1 : i32
    %sub3A_109 = vector.broadcast %sub3A_108 : i32 to vector<16xi32>
    %sub3A_110 = arith.subi %div3A_83, %sub3A_109 : vector<16xi32>
    %select_n3A_111 = arith.select %and3A_107, %sub3A_110, %div3A_83 : vector<16xi1>, vector<16xi32>
    %add3A_112 = arith.constant 8 : i32
    %add3A_113 = vector.broadcast %add3A_112 : i32 to vector<16xi32>
    %add3A_114 = arith.addi %select_n3A_111, %add3A_113 : vector<16xi32>
    %jit3A_115 = arith.constant 4 : i32
    %div3A_116 = vector.broadcast %jit3A_115 : i32 to vector<16xi32>
    %div3A_117 = arith.divsi %iota3A, %div3A_116 : vector<16xi32>
    %sign3A_118 = arith.constant 0 : i32
    %sign3A_119 = vector.broadcast %sign3A_118 : i32 to vector<16xi32>
    %sign3A_120 = arith.cmpi sgt, %iota3A, %sign3A_119 : vector<16xi32>
    %sign3A_121 = arith.extui %sign3A_120 : vector<16xi1> to vector<16xi32>
    %sign3A_122 = arith.constant 0 : i32
    %sign3A_123 = vector.broadcast %sign3A_122 : i32 to vector<16xi32>
    %sign3A_124 = arith.cmpi slt, %iota3A, %sign3A_123 : vector<16xi32>
    %sign3A_125 = arith.extui %sign3A_124 : vector<16xi1> to vector<16xi32>
    %sign3A_126 = arith.subi %sign3A_121, %sign3A_125 : vector<16xi32>
    %sign3A_127 = arith.constant 0 : i32
    %sign3A_128 = arith.cmpi sgt, %jit3A_115, %sign3A_127 : i32
    %sign3A_129 = arith.extui %sign3A_128 : i1 to i32
    %sign3A_130 = arith.constant 0 : i32
    %sign3A_131 = arith.cmpi slt, %jit3A_115, %sign3A_130 : i32
    %sign3A_132 = arith.extui %sign3A_131 : i1 to i32
    %sign3A_133 = arith.subi %sign3A_129, %sign3A_132 : i32
    %ne3A_134 = vector.broadcast %sign3A_133 : i32 to vector<16xi32>
    %ne3A_135 = arith.cmpi ne, %sign3A_126, %ne3A_134 : vector<16xi32>
    %rem3A_136 = vector.broadcast %jit3A_115 : i32 to vector<16xi32>
    %rem3A_137 = arith.remsi %iota3A, %rem3A_136 : vector<16xi32>
    %ne3A_138 = arith.constant 0 : i32
    %ne3A_139 = vector.broadcast %ne3A_138 : i32 to vector<16xi32>
    %ne3A_140 = arith.cmpi ne, %rem3A_137, %ne3A_139 : vector<16xi32>
    %and3A_141 = arith.andi %ne3A_135, %ne3A_140 : vector<16xi1>
    %sub3A_142 = arith.constant 1 : i32
    %sub3A_143 = vector.broadcast %sub3A_142 : i32 to vector<16xi32>
    %sub3A_144 = arith.subi %div3A_117, %sub3A_143 : vector<16xi32>
    %select_n3A_145 = arith.select %and3A_141, %sub3A_144, %div3A_117 : vector<16xi1>, vector<16xi32>
    %add3A_146 = arith.constant 12 : i32
    %add3A_147 = vector.broadcast %add3A_146 : i32 to vector<16xi32>
    %add3A_148 = arith.addi %select_n3A_145, %add3A_147 : vector<16xi32>
    %dma_start3A = arith.constant 0 : i32
    %dma_start3A_149 = tpu.memref_slice %arg3[%add3A, %dma_start3A] : memref<32x40000xf32, #tpu.memory_space<hbm>> -> memref<1x40000xf32, #tpu.memory_space<hbm>>
    %dma_start3A_150 = tpu.memref_squeeze %dma_start3A_149 : memref<1x40000xf32, #tpu.memory_space<hbm>> -> memref<40000xf32, #tpu.memory_space<hbm>>
    %dma_start3A_151 = arith.constant 0 : i32
    %dma_start3A_152 = tpu.memref_slice %arg3[%add3A, %dma_start3A_151] : memref<32x40000xf32, #tpu.memory_space<hbm>> -> memref<1x40000xf32, #tpu.memory_space<hbm>>
    %dma_start3A_153 = tpu.memref_squeeze %dma_start3A_152 : memref<1x40000xf32, #tpu.memory_space<hbm>> -> memref<40000xf32, #tpu.memory_space<hbm>>
    tpu.enqueue_dma source(%dma_start3A_153 : memref<40000xf32, #tpu.memory_space<hbm>>) target(%arg6 : memref<40000xf32, #tpu.memory_space<vmem>>) target_semaphore(%arg9 : memref<!tpu.dma_semaphore, #tpu.memory_space<semaphore_mem>>)
    %broadcast_in_dim3A = arith.constant 0.000000e+00 : f32
    %broadcast_in_dim3A_154 = vector.broadcast %broadcast_in_dim3A : f32 to vector<16xf32>
    %parallel_loop3A = arith.constant 0 : i32
    %parallel_loop3A_155 = arith.constant 2500 : i32
    %parallel_loop3A_156 = arith.constant 1 : i32
    scf.for %parallel_loop3A_185 = %parallel_loop3A to %parallel_loop3A_155 step %parallel_loop3A_156  : i32 {
      %parallel_loop3A_186 = arith.constant 16 : i32
      %parallel_loop3A_187 = arith.muli %parallel_loop3A_185, %parallel_loop3A_186 : i32
      %parallel_loop3A_188 = arith.index_cast %parallel_loop3A_187 : i32 to index
      %parallel_loop3A_189 = tpu.vector_load %arg7[%parallel_loop3A_188] {strides = array<i32>} : memref<40000xf32, #tpu.memory_space<vmem>>, vector<16xf32>,
      tpu.vector_store %arg7[%parallel_loop3A_188], %broadcast_in_dim3A_154 {strides = array<i32>} : memref<40000xf32, #tpu.memory_space<vmem>>, vector<16xf32>,
    } {sc.loop_unroll_factor = 8 : i64, sc.parallel_access}
    %dma_start3A_157 = arith.constant 0 : i32
    %dma_start3A_158 = tpu.memref_slice %arg5[%dma_start3A_157] : memref<32000xi32, #tpu.memory_space<vmem>> -> memref<16000xi32, #tpu.memory_space<vmem>>
    %dma_start3A_159 = arith.constant 0 : i32
    %dma_start3A_160 = tpu.memref_slice %arg2[%dma_start3A_159] : memref<320000xi32, #tpu.memory_space<hbm>> -> memref<16000xi32, #tpu.memory_space<hbm>>
    %dma_start3A_161 = arith.constant 0 : i32
    %dma_start3A_162 = tpu.memref_slice %arg5[%dma_start3A_161] : memref<32000xi32, #tpu.memory_space<vmem>> -> memref<16000xi32, #tpu.memory_space<vmem>>
    %dma_start3A_163 = arith.constant 0 : i32
    %dma_start3A_164 = tpu.memref_slice %arg2[%dma_start3A_163] : memref<320000xi32, #tpu.memory_space<hbm>> -> memref<16000xi32, #tpu.memory_space<hbm>>
    tpu.enqueue_dma source(%dma_start3A_164 : memref<16000xi32, #tpu.memory_space<hbm>>) target(%dma_start3A_162 : memref<16000xi32, #tpu.memory_space<vmem>>) target_semaphore(%arg8 : memref<!tpu.dma_semaphore, #tpu.memory_space<semaphore_mem>>)
    %dma_wait3A = arith.constant 0 : i32
    %dma_wait3A_165 = tpu.memref_slice %arg3[%add3A, %dma_wait3A] : memref<32x40000xf32, #tpu.memory_space<hbm>> -> memref<1x40000xf32, #tpu.memory_space<hbm>>
    %dma_wait3A_166 = tpu.memref_squeeze %dma_wait3A_165 : memref<1x40000xf32, #tpu.memory_space<hbm>> -> memref<40000xf32, #tpu.memory_space<hbm>>
    %dma_wait3A_167 = arith.constant 0 : i32
    %dma_wait3A_168 = tpu.memref_slice %arg3[%add3A, %dma_wait3A_167] : memref<32x40000xf32, #tpu.memory_space<hbm>> -> memref<1x40000xf32, #tpu.memory_space<hbm>>
    %dma_wait3A_169 = tpu.memref_squeeze %dma_wait3A_168 : memref<1x40000xf32, #tpu.memory_space<hbm>> -> memref<40000xf32, #tpu.memory_space<hbm>>
    tpu.wait_dma2 semaphore(%arg9 : memref<!tpu.dma_semaphore, #tpu.memory_space<semaphore_mem>>) src(%dma_wait3A_169 : memref<40000xf32, #tpu.memory_space<hbm>>) dst(%arg6 : memref<40000xf32, #tpu.memory_space<vmem>>)
    %scan3A = arith.constant 0 : i32
    %scan3A_170 = arith.constant 20 : i32
    %scan3A_171 = arith.addi %scan3A, %scan3A_170 : i32
    %scan3A_172 = arith.constant 1 : i32
    scf.for %scan3A_185 = %scan3A to %scan3A_171 step %scan3A_172  : i32 {
      %rem3A_186 = arith.constant 2 : i32
      %rem3A_187 = arith.remsi %scan3A_185, %rem3A_186 : i32
      %add3A_188 = arith.constant 1 : i32
      %add3A_189 = arith.addi %scan3A_185, %add3A_188 : i32
      %rem3A_190 = arith.constant 20 : i32
      %rem3A_191 = arith.remsi %add3A_189, %rem3A_190 : i32
      %mul3A_192 = arith.constant 16000 : i32
      %mul3A_193 = arith.muli %rem3A_187, %mul3A_192 : i32
      %dma_wait3A_194 = tpu.memref_slice %arg5[%mul3A_193] : memref<32000xi32, #tpu.memory_space<vmem>> -> memref<16000xi32, #tpu.memory_space<vmem>>
      %dma_wait3A_195 = arith.constant 0 : i32
      %dma_wait3A_196 = tpu.memref_slice %arg2[%dma_wait3A_195] : memref<320000xi32, #tpu.memory_space<hbm>> -> memref<16000xi32, #tpu.memory_space<hbm>>
      %dma_wait3A_197 = tpu.memref_slice %arg5[%mul3A_193] : memref<32000xi32, #tpu.memory_space<vmem>> -> memref<16000xi32, #tpu.memory_space<vmem>>
      %dma_wait3A_198 = arith.constant 0 : i32
      %dma_wait3A_199 = tpu.memref_slice %arg2[%dma_wait3A_198] : memref<320000xi32, #tpu.memory_space<hbm>> -> memref<16000xi32, #tpu.memory_space<hbm>>
      tpu.wait_dma2 semaphore(%arg8 : memref<!tpu.dma_semaphore, #tpu.memory_space<semaphore_mem>>) src(%dma_wait3A_199 : memref<16000xi32, #tpu.memory_space<hbm>>) dst(%dma_wait3A_197 : memref<16000xi32, #tpu.memory_space<vmem>>)
      %add3A_200 = arith.constant 1 : i32
      %add3A_201 = arith.addi %scan3A_185, %add3A_200 : i32
      %rem3A_202 = arith.constant 2 : i32
      %rem3A_203 = arith.remsi %add3A_201, %rem3A_202 : i32
      %mul3A_204 = arith.constant 16000 : i32
      %mul3A_205 = arith.muli %rem3A_191, %mul3A_204 : i32
      %mul3A_206 = arith.constant 16000 : i32
      %mul3A_207 = arith.muli %rem3A_203, %mul3A_206 : i32
      %dma_start3A_208 = tpu.memref_slice %arg5[%mul3A_207] : memref<32000xi32, #tpu.memory_space<vmem>> -> memref<16000xi32, #tpu.memory_space<vmem>>
      %dma_start3A_209 = tpu.memref_slice %arg2[%mul3A_205] : memref<320000xi32, #tpu.memory_space<hbm>> -> memref<16000xi32, #tpu.memory_space<hbm>>
      %dma_start3A_210 = tpu.memref_slice %arg5[%mul3A_207] : memref<32000xi32, #tpu.memory_space<vmem>> -> memref<16000xi32, #tpu.memory_space<vmem>>
      %dma_start3A_211 = tpu.memref_slice %arg2[%mul3A_205] : memref<320000xi32, #tpu.memory_space<hbm>> -> memref<16000xi32, #tpu.memory_space<hbm>>
      tpu.enqueue_dma source(%dma_start3A_211 : memref<16000xi32, #tpu.memory_space<hbm>>) target(%dma_start3A_210 : memref<16000xi32, #tpu.memory_space<vmem>>) target_semaphore(%arg8 : memref<!tpu.dma_semaphore, #tpu.memory_space<semaphore_mem>>)
      %mul3A_212 = arith.constant 16000 : i32
      %mul3A_213 = arith.muli %rem3A_187, %mul3A_212 : i32
      %parallel_loop3A_214 = arith.constant 0 : i32
      %parallel_loop3A_215 = arith.constant 1000 : i32
      %parallel_loop3A_216 = arith.constant 1 : i32
      scf.for %parallel_loop3A_217 = %parallel_loop3A_214 to %parallel_loop3A_215 step %parallel_loop3A_216  : i32 {
        %parallel_loop3A_218 = arith.constant 16 : i32
        %parallel_loop3A_219 = arith.muli %parallel_loop3A_217, %parallel_loop3A_218 : i32
        %parallel_loop3A_220 = arith.addi %mul3A_213, %parallel_loop3A_219 : i32
        %parallel_loop3A_221 = arith.index_cast %parallel_loop3A_220 : i32 to index
        %parallel_loop3A_222 = tpu.vector_load %arg5[%parallel_loop3A_221] {strides = array<i32>} : memref<32000xi32, #tpu.memory_space<vmem>>, vector<16xi32>,
        %parallel_loop3A_223 = vector.shape_cast %add3A_46 : vector<16xi32> to vector<16x1xi32>
        %parallel_loop3A_224 = vector.shape_cast %parallel_loop3A_223 : vector<16x1xi32> to vector<16xi32>
        %parallel_loop3A_225 = tpu.dynamic_gather %parallel_loop3A_222[%parallel_loop3A_224] in [0] : vector<16xi32>, vector<16xi32> -> vector<16xi32>
        %parallel_loop3A_226 = arith.constant 16 : i32
        %parallel_loop3A_227 = vector.broadcast %parallel_loop3A_226 : i32 to vector<16xi32>
        %parallel_loop3A_228 = arith.shrui %parallel_loop3A_225, %parallel_loop3A_227 : vector<16xi32>
        %parallel_loop3A_229 = arith.addi %parallel_loop3A_228, %select_n3A_15 : vector<16xi32>
        %parallel_loop3A_230 = vector.bitcast %parallel_loop3A_229 : vector<16xi32> to vector<16xi32>
        %parallel_loop3A_231 = arith.constant 65535 : i32
        %parallel_loop3A_232 = vector.broadcast %parallel_loop3A_231 : i32 to vector<16xi32>
        %parallel_loop3A_233 = arith.andi %parallel_loop3A_225, %parallel_loop3A_232 : vector<16xi32>
        %parallel_loop3A_234 = arith.addi %parallel_loop3A_233, %select_n3A_15 : vector<16xi32>
        %parallel_loop3A_235 = vector.bitcast %parallel_loop3A_234 : vector<16xi32> to vector<16xi32>
        %parallel_loop3A_236 = tpu.vector_load_idx %arg6[%parallel_loop3A_230] : memref<40000xf32, #tpu.memory_space<vmem>>[vector<16xi32>], vector<16xf32>,
        tpu.vector_store_idx %arg7[%parallel_loop3A_235], %parallel_loop3A_236 {add = true} : memref<40000xf32, #tpu.memory_space<vmem>>[vector<16xi32>], vector<16xf32>,
        %parallel_loop3A_237 = vector.shape_cast %add3A_80 : vector<16xi32> to vector<16x1xi32>
        %parallel_loop3A_238 = vector.shape_cast %parallel_loop3A_237 : vector<16x1xi32> to vector<16xi32>
        %parallel_loop3A_239 = tpu.dynamic_gather %parallel_loop3A_222[%parallel_loop3A_238] in [0] : vector<16xi32>, vector<16xi32> -> vector<16xi32>
        %parallel_loop3A_240 = arith.constant 16 : i32
        %parallel_loop3A_241 = vector.broadcast %parallel_loop3A_240 : i32 to vector<16xi32>
        %parallel_loop3A_242 = arith.shrui %parallel_loop3A_239, %parallel_loop3A_241 : vector<16xi32>
        %parallel_loop3A_243 = arith.addi %parallel_loop3A_242, %select_n3A_15 : vector<16xi32>
        %parallel_loop3A_244 = vector.bitcast %parallel_loop3A_243 : vector<16xi32> to vector<16xi32>
        %parallel_loop3A_245 = arith.constant 65535 : i32
        %parallel_loop3A_246 = vector.broadcast %parallel_loop3A_245 : i32 to vector<16xi32>
        %parallel_loop3A_247 = arith.andi %parallel_loop3A_239, %parallel_loop3A_246 : vector<16xi32>
        %parallel_loop3A_248 = arith.addi %parallel_loop3A_247, %select_n3A_15 : vector<16xi32>
        %parallel_loop3A_249 = vector.bitcast %parallel_loop3A_248 : vector<16xi32> to vector<16xi32>
        %parallel_loop3A_250 = tpu.vector_load_idx %arg6[%parallel_loop3A_244] : memref<40000xf32, #tpu.memory_space<vmem>>[vector<16xi32>], vector<16xf32>,
        tpu.vector_store_idx %arg7[%parallel_loop3A_249], %parallel_loop3A_250 {add = true} : memref<40000xf32, #tpu.memory_space<vmem>>[vector<16xi32>], vector<16xf32>,
        %parallel_loop3A_251 = vector.shape_cast %add3A_114 : vector<16xi32> to vector<16x1xi32>
        %parallel_loop3A_252 = vector.shape_cast %parallel_loop3A_251 : vector<16x1xi32> to vector<16xi32>
        %parallel_loop3A_253 = tpu.dynamic_gather %parallel_loop3A_222[%parallel_loop3A_252] in [0] : vector<16xi32>, vector<16xi32> -> vector<16xi32>
        %parallel_loop3A_254 = arith.constant 16 : i32
        %parallel_loop3A_255 = vector.broadcast %parallel_loop3A_254 : i32 to vector<16xi32>
        %parallel_loop3A_256 = arith.shrui %parallel_loop3A_253, %parallel_loop3A_255 : vector<16xi32>
        %parallel_loop3A_257 = arith.addi %parallel_loop3A_256, %select_n3A_15 : vector<16xi32>
        %parallel_loop3A_258 = vector.bitcast %parallel_loop3A_257 : vector<16xi32> to vector<16xi32>
        %parallel_loop3A_259 = arith.constant 65535 : i32
        %parallel_loop3A_260 = vector.broadcast %parallel_loop3A_259 : i32 to vector<16xi32>
        %parallel_loop3A_261 = arith.andi %parallel_loop3A_253, %parallel_loop3A_260 : vector<16xi32>
        %parallel_loop3A_262 = arith.addi %parallel_loop3A_261, %select_n3A_15 : vector<16xi32>
        %parallel_loop3A_263 = vector.bitcast %parallel_loop3A_262 : vector<16xi32> to vector<16xi32>
        %parallel_loop3A_264 = tpu.vector_load_idx %arg6[%parallel_loop3A_258] : memref<40000xf32, #tpu.memory_space<vmem>>[vector<16xi32>], vector<16xf32>,
        tpu.vector_store_idx %arg7[%parallel_loop3A_263], %parallel_loop3A_264 {add = true} : memref<40000xf32, #tpu.memory_space<vmem>>[vector<16xi32>], vector<16xf32>,
        %parallel_loop3A_265 = vector.shape_cast %add3A_148 : vector<16xi32> to vector<16x1xi32>
        %parallel_loop3A_266 = vector.shape_cast %parallel_loop3A_265 : vector<16x1xi32> to vector<16xi32>
        %parallel_loop3A_267 = tpu.dynamic_gather %parallel_loop3A_222[%parallel_loop3A_266] in [0] : vector<16xi32>, vector<16xi32> -> vector<16xi32>
        %parallel_loop3A_268 = arith.constant 16 : i32
        %parallel_loop3A_269 = vector.broadcast %parallel_loop3A_268 : i32 to vector<16xi32>
        %parallel_loop3A_270 = arith.shrui %parallel_loop3A_267, %parallel_loop3A_269 : vector<16xi32>
        %parallel_loop3A_271 = arith.addi %parallel_loop3A_270, %select_n3A_15 : vector<16xi32>
        %parallel_loop3A_272 = vector.bitcast %parallel_loop3A_271 : vector<16xi32> to vector<16xi32>
        %parallel_loop3A_273 = arith.constant 65535 : i32
        %parallel_loop3A_274 = vector.broadcast %parallel_loop3A_273 : i32 to vector<16xi32>
        %parallel_loop3A_275 = arith.andi %parallel_loop3A_267, %parallel_loop3A_274 : vector<16xi32>
        %parallel_loop3A_276 = arith.addi %parallel_loop3A_275, %select_n3A_15 : vector<16xi32>
        %parallel_loop3A_277 = vector.bitcast %parallel_loop3A_276 : vector<16xi32> to vector<16xi32>
        %parallel_loop3A_278 = tpu.vector_load_idx %arg6[%parallel_loop3A_272] : memref<40000xf32, #tpu.memory_space<vmem>>[vector<16xi32>], vector<16xf32>,
        tpu.vector_store_idx %arg7[%parallel_loop3A_277], %parallel_loop3A_278 {add = true} : memref<40000xf32, #tpu.memory_space<vmem>>[vector<16xi32>], vector<16xf32>,
      } {sc.loop_unroll_factor = 2 : i64, sc.parallel_access}
    }
    %scan3A_173 = arith.constant 20 : i32
    %rem3A_174 = arith.constant 20 : i32
    %rem3A_175 = arith.constant 2 : i32
    %rem3A_176 = arith.remsi %rem3A_174, %rem3A_175 : i32
    %mul3A_177 = arith.constant 16000 : i32
    %mul3A_178 = arith.muli %rem3A_176, %mul3A_177 : i32
    %dma_wait3A_179 = tpu.memref_slice %arg5[%mul3A_178] : memref<32000xi32, #tpu.memory_space<vmem>> -> memref<16000xi32, #tpu.memory_space<vmem>>
    %dma_wait3A_180 = arith.constant 0 : i32
    %dma_wait3A_181 = tpu.memref_slice %arg2[%dma_wait3A_180] : memref<320000xi32, #tpu.memory_space<hbm>> -> memref<16000xi32, #tpu.memory_space<hbm>>
    %dma_wait3A_182 = tpu.memref_slice %arg5[%mul3A_178] : memref<32000xi32, #tpu.memory_space<vmem>> -> memref<16000xi32, #tpu.memory_space<vmem>>
    %dma_wait3A_183 = arith.constant 0 : i32
    %dma_wait3A_184 = tpu.memref_slice %arg2[%dma_wait3A_183] : memref<320000xi32, #tpu.memory_space<hbm>> -> memref<16000xi32, #tpu.memory_space<hbm>>
    tpu.wait_dma2 semaphore(%arg8 : memref<!tpu.dma_semaphore, #tpu.memory_space<semaphore_mem>>) src(%dma_wait3A_184 : memref<16000xi32, #tpu.memory_space<hbm>>) dst(%dma_wait3A_182 : memref<16000xi32, #tpu.memory_space<vmem>>)
    "tpu.region"() ({
      %run_scoped3A = tpu.sem_alloc : memref<!tpu.dma_semaphore, #tpu.memory_space<semaphore_mem>>
      %dma_start3A_185 = arith.constant 0 : i32
      %dma_start3A_186 = tpu.memref_slice %arg4[%add3A, %dma_start3A_185] : memref<32x40000xf32, #tpu.memory_space<hbm>> -> memref<1x40000xf32, #tpu.memory_space<hbm>>
      %dma_start3A_187 = tpu.memref_squeeze %dma_start3A_186 : memref<1x40000xf32, #tpu.memory_space<hbm>> -> memref<40000xf32, #tpu.memory_space<hbm>>
      %dma_start3A_188 = arith.constant 0 : i32
      %dma_start3A_189 = tpu.memref_slice %arg4[%add3A, %dma_start3A_188] : memref<32x40000xf32, #tpu.memory_space<hbm>> -> memref<1x40000xf32, #tpu.memory_space<hbm>>
      %dma_start3A_190 = tpu.memref_squeeze %dma_start3A_189 : memref<1x40000xf32, #tpu.memory_space<hbm>> -> memref<40000xf32, #tpu.memory_space<hbm>>
      tpu.enqueue_dma source(%arg7 : memref<40000xf32, #tpu.memory_space<vmem>>) target(%dma_start3A_190 : memref<40000xf32, #tpu.memory_space<hbm>>) target_semaphore(%run_scoped3A : memref<!tpu.dma_semaphore, #tpu.memory_space<semaphore_mem>>)
      %dma_wait3A_191 = arith.constant 0 : i32
      %dma_wait3A_192 = tpu.memref_slice %arg4[%add3A, %dma_wait3A_191] : memref<32x40000xf32, #tpu.memory_space<hbm>> -> memref<1x40000xf32, #tpu.memory_space<hbm>>
      %dma_wait3A_193 = tpu.memref_squeeze %dma_wait3A_192 : memref<1x40000xf32, #tpu.memory_space<hbm>> -> memref<40000xf32, #tpu.memory_space<hbm>>
      %dma_wait3A_194 = arith.constant 0 : i32
      %dma_wait3A_195 = tpu.memref_slice %arg4[%add3A, %dma_wait3A_194] : memref<32x40000xf32, #tpu.memory_space<hbm>> -> memref<1x40000xf32, #tpu.memory_space<hbm>>
      %dma_wait3A_196 = tpu.memref_squeeze %dma_wait3A_195 : memref<1x40000xf32, #tpu.memory_space<hbm>> -> memref<40000xf32, #tpu.memory_space<hbm>>
      tpu.wait_dma2 semaphore(%run_scoped3A : memref<!tpu.dma_semaphore, #tpu.memory_space<semaphore_mem>>) src(%arg7 : memref<40000xf32, #tpu.memory_space<vmem>>) dst(%dma_wait3A_196 : memref<40000xf32, #tpu.memory_space<hbm>>)
      tpu.yield
    }) : () -> ()
    return
  }
}

#map = affine_map<(d0, d1) -> (0)>
#map1 = affine_map<(d0, d1) -> (0, 0)>
module attributes {stable_mosaic.version = 14 : i64} {
  func.func @spmm(%arg0: i32, %arg1: i32, %arg2: memref<320000xi32, #tpu.memory_space<hbm>>, %arg3: memref<32x20000xf32, #tpu.memory_space<hbm>>, %arg4: memref<32x20000xf32, #tpu.memory_space<hbm>>, %arg5: memref<32000xi32, #tpu.memory_space<vmem>>, %arg6: memref<20000xf32, #tpu.memory_space<vmem>>, %arg7: memref<20000xf32, #tpu.memory_space<vmem>>, %arg8: memref<!tpu.dma_semaphore, #tpu.memory_space<semaphore_mem>>, %arg9: memref<!tpu.dma_semaphore, #tpu.memory_space<semaphore_mem>>) attributes {dimension_semantics = [#tpu.dimension_semantics<core_parallel>, #tpu.dimension_semantics<subcore_parallel>], iteration_bounds = array<i64: 2, 16>, scalar_prefetch = 0 : i64, scratch_operands = 5 : i64, tpu.core_type = #tpu.core_type<sc_vector_subcore>, window_params = [{transform_indices = #map}, {transform_indices = #map1}, {transform_indices = #map1}]} {
    %mul3A = arith.constant 2 : i32
    %mul3A_0 = arith.muli %arg1, %mul3A : i32
    %add3A = arith.addi %mul3A_0, %arg0 : i32
    %iota3A = tpu.iota {dimensions = array<i32: 0>} : vector<16xi32>
    %jit3A = arith.constant 2 : i32
    %eq3A = arith.constant 0 : i32
    %eq3A_1 = arith.cmpi eq, %jit3A, %eq3A : i32
    %jit3A_2 = arith.constant 1 : i32
    %select_n3A = arith.select %eq3A_1, %jit3A_2, %jit3A : i32
    %rem3A = vector.broadcast %select_n3A : i32 to vector<16xi32>
    %rem3A_3 = arith.remsi %iota3A, %rem3A : vector<16xi32>
    %ne3A = arith.constant 0 : i32
    %ne3A_4 = vector.broadcast %ne3A : i32 to vector<16xi32>
    %ne3A_5 = arith.cmpi ne, %rem3A_3, %ne3A_4 : vector<16xi32>
    %lt3A = arith.constant 0 : i32
    %lt3A_6 = vector.broadcast %lt3A : i32 to vector<16xi32>
    %lt3A_7 = arith.cmpi slt, %rem3A_3, %lt3A_6 : vector<16xi32>
    %lt3A_8 = arith.constant 0 : i32
    %lt3A_9 = arith.cmpi slt, %select_n3A, %lt3A_8 : i32
    %ne3A_10 = vector.broadcast %lt3A_9 : i1 to vector<16xi1>
    %ne3A_11 = vector.broadcast %ne3A_10 : vector<16xi1> to vector<16xi1>
    %ne3A_12 = arith.xori %lt3A_7, %ne3A_11 : vector<16xi1>
    %and3A = arith.andi %ne3A_12, %ne3A_5 : vector<16xi1>
    %add3A_13 = vector.broadcast %select_n3A : i32 to vector<16xi32>
    %add3A_14 = arith.addi %rem3A_3, %add3A_13 : vector<16xi32>
    %select_n3A_15 = arith.select %and3A, %add3A_14, %rem3A_3 : vector<16xi1>, vector<16xi32>
    %jit3A_16 = arith.constant 2 : i32
    %div3A = vector.broadcast %jit3A_16 : i32 to vector<16xi32>
    %div3A_17 = arith.divsi %iota3A, %div3A : vector<16xi32>
    %sign3A = arith.constant 0 : i32
    %sign3A_18 = vector.broadcast %sign3A : i32 to vector<16xi32>
    %sign3A_19 = arith.cmpi sgt, %iota3A, %sign3A_18 : vector<16xi32>
    %sign3A_20 = arith.extui %sign3A_19 : vector<16xi1> to vector<16xi32>
    %sign3A_21 = arith.constant 0 : i32
    %sign3A_22 = vector.broadcast %sign3A_21 : i32 to vector<16xi32>
    %sign3A_23 = arith.cmpi slt, %iota3A, %sign3A_22 : vector<16xi32>
    %sign3A_24 = arith.extui %sign3A_23 : vector<16xi1> to vector<16xi32>
    %sign3A_25 = arith.subi %sign3A_20, %sign3A_24 : vector<16xi32>
    %sign3A_26 = arith.constant 0 : i32
    %sign3A_27 = arith.cmpi sgt, %jit3A_16, %sign3A_26 : i32
    %sign3A_28 = arith.extui %sign3A_27 : i1 to i32
    %sign3A_29 = arith.constant 0 : i32
    %sign3A_30 = arith.cmpi slt, %jit3A_16, %sign3A_29 : i32
    %sign3A_31 = arith.extui %sign3A_30 : i1 to i32
    %sign3A_32 = arith.subi %sign3A_28, %sign3A_31 : i32
    %ne3A_33 = vector.broadcast %sign3A_32 : i32 to vector<16xi32>
    %ne3A_34 = arith.cmpi ne, %sign3A_25, %ne3A_33 : vector<16xi32>
    %rem3A_35 = vector.broadcast %jit3A_16 : i32 to vector<16xi32>
    %rem3A_36 = arith.remsi %iota3A, %rem3A_35 : vector<16xi32>
    %ne3A_37 = arith.constant 0 : i32
    %ne3A_38 = vector.broadcast %ne3A_37 : i32 to vector<16xi32>
    %ne3A_39 = arith.cmpi ne, %rem3A_36, %ne3A_38 : vector<16xi32>
    %and3A_40 = arith.andi %ne3A_34, %ne3A_39 : vector<16xi1>
    %sub3A = arith.constant 1 : i32
    %sub3A_41 = vector.broadcast %sub3A : i32 to vector<16xi32>
    %sub3A_42 = arith.subi %div3A_17, %sub3A_41 : vector<16xi32>
    %select_n3A_43 = arith.select %and3A_40, %sub3A_42, %div3A_17 : vector<16xi1>, vector<16xi32>
    %add3A_44 = arith.constant 0 : i32
    %add3A_45 = vector.broadcast %add3A_44 : i32 to vector<16xi32>
    %add3A_46 = arith.addi %select_n3A_43, %add3A_45 : vector<16xi32>
    %jit3A_47 = arith.constant 2 : i32
    %div3A_48 = vector.broadcast %jit3A_47 : i32 to vector<16xi32>
    %div3A_49 = arith.divsi %iota3A, %div3A_48 : vector<16xi32>
    %sign3A_50 = arith.constant 0 : i32
    %sign3A_51 = vector.broadcast %sign3A_50 : i32 to vector<16xi32>
    %sign3A_52 = arith.cmpi sgt, %iota3A, %sign3A_51 : vector<16xi32>
    %sign3A_53 = arith.extui %sign3A_52 : vector<16xi1> to vector<16xi32>
    %sign3A_54 = arith.constant 0 : i32
    %sign3A_55 = vector.broadcast %sign3A_54 : i32 to vector<16xi32>
    %sign3A_56 = arith.cmpi slt, %iota3A, %sign3A_55 : vector<16xi32>
    %sign3A_57 = arith.extui %sign3A_56 : vector<16xi1> to vector<16xi32>
    %sign3A_58 = arith.subi %sign3A_53, %sign3A_57 : vector<16xi32>
    %sign3A_59 = arith.constant 0 : i32
    %sign3A_60 = arith.cmpi sgt, %jit3A_47, %sign3A_59 : i32
    %sign3A_61 = arith.extui %sign3A_60 : i1 to i32
    %sign3A_62 = arith.constant 0 : i32
    %sign3A_63 = arith.cmpi slt, %jit3A_47, %sign3A_62 : i32
    %sign3A_64 = arith.extui %sign3A_63 : i1 to i32
    %sign3A_65 = arith.subi %sign3A_61, %sign3A_64 : i32
    %ne3A_66 = vector.broadcast %sign3A_65 : i32 to vector<16xi32>
    %ne3A_67 = arith.cmpi ne, %sign3A_58, %ne3A_66 : vector<16xi32>
    %rem3A_68 = vector.broadcast %jit3A_47 : i32 to vector<16xi32>
    %rem3A_69 = arith.remsi %iota3A, %rem3A_68 : vector<16xi32>
    %ne3A_70 = arith.constant 0 : i32
    %ne3A_71 = vector.broadcast %ne3A_70 : i32 to vector<16xi32>
    %ne3A_72 = arith.cmpi ne, %rem3A_69, %ne3A_71 : vector<16xi32>
    %and3A_73 = arith.andi %ne3A_67, %ne3A_72 : vector<16xi1>
    %sub3A_74 = arith.constant 1 : i32
    %sub3A_75 = vector.broadcast %sub3A_74 : i32 to vector<16xi32>
    %sub3A_76 = arith.subi %div3A_49, %sub3A_75 : vector<16xi32>
    %select_n3A_77 = arith.select %and3A_73, %sub3A_76, %div3A_49 : vector<16xi1>, vector<16xi32>
    %add3A_78 = arith.constant 8 : i32
    %add3A_79 = vector.broadcast %add3A_78 : i32 to vector<16xi32>
    %add3A_80 = arith.addi %select_n3A_77, %add3A_79 : vector<16xi32>
    %dma_start3A = arith.constant 0 : i32
    %dma_start3A_81 = tpu.memref_slice %arg3[%add3A, %dma_start3A] : memref<32x20000xf32, #tpu.memory_space<hbm>> -> memref<1x20000xf32, #tpu.memory_space<hbm>>
    %dma_start3A_82 = tpu.memref_squeeze %dma_start3A_81 : memref<1x20000xf32, #tpu.memory_space<hbm>> -> memref<20000xf32, #tpu.memory_space<hbm>>
    %dma_start3A_83 = arith.constant 0 : i32
    %dma_start3A_84 = tpu.memref_slice %arg3[%add3A, %dma_start3A_83] : memref<32x20000xf32, #tpu.memory_space<hbm>> -> memref<1x20000xf32, #tpu.memory_space<hbm>>
    %dma_start3A_85 = tpu.memref_squeeze %dma_start3A_84 : memref<1x20000xf32, #tpu.memory_space<hbm>> -> memref<20000xf32, #tpu.memory_space<hbm>>
    tpu.enqueue_dma source(%dma_start3A_85 : memref<20000xf32, #tpu.memory_space<hbm>>) target(%arg6 : memref<20000xf32, #tpu.memory_space<vmem>>) target_semaphore(%arg9 : memref<!tpu.dma_semaphore, #tpu.memory_space<semaphore_mem>>)
    %broadcast_in_dim3A = arith.constant 0.000000e+00 : f32
    %broadcast_in_dim3A_86 = vector.broadcast %broadcast_in_dim3A : f32 to vector<16xf32>
    %parallel_loop3A = arith.constant 0 : i32
    %parallel_loop3A_87 = arith.constant 1250 : i32
    %parallel_loop3A_88 = arith.constant 1 : i32
    scf.for %parallel_loop3A_117 = %parallel_loop3A to %parallel_loop3A_87 step %parallel_loop3A_88  : i32 {
      %parallel_loop3A_118 = arith.constant 16 : i32
      %parallel_loop3A_119 = arith.muli %parallel_loop3A_117, %parallel_loop3A_118 : i32
      %parallel_loop3A_120 = arith.index_cast %parallel_loop3A_119 : i32 to index
      %parallel_loop3A_121 = tpu.vector_load %arg7[%parallel_loop3A_120] {strides = array<i32>} : memref<20000xf32, #tpu.memory_space<vmem>>, vector<16xf32>,
      tpu.vector_store %arg7[%parallel_loop3A_120], %broadcast_in_dim3A_86 {strides = array<i32>} : memref<20000xf32, #tpu.memory_space<vmem>>, vector<16xf32>,
    } {sc.loop_unroll_factor = 8 : i64, sc.parallel_access}
    %dma_start3A_89 = arith.constant 0 : i32
    %dma_start3A_90 = tpu.memref_slice %arg5[%dma_start3A_89] : memref<32000xi32, #tpu.memory_space<vmem>> -> memref<16000xi32, #tpu.memory_space<vmem>>
    %dma_start3A_91 = arith.constant 0 : i32
    %dma_start3A_92 = tpu.memref_slice %arg2[%dma_start3A_91] : memref<320000xi32, #tpu.memory_space<hbm>> -> memref<16000xi32, #tpu.memory_space<hbm>>
    %dma_start3A_93 = arith.constant 0 : i32
    %dma_start3A_94 = tpu.memref_slice %arg5[%dma_start3A_93] : memref<32000xi32, #tpu.memory_space<vmem>> -> memref<16000xi32, #tpu.memory_space<vmem>>
    %dma_start3A_95 = arith.constant 0 : i32
    %dma_start3A_96 = tpu.memref_slice %arg2[%dma_start3A_95] : memref<320000xi32, #tpu.memory_space<hbm>> -> memref<16000xi32, #tpu.memory_space<hbm>>
    tpu.enqueue_dma source(%dma_start3A_96 : memref<16000xi32, #tpu.memory_space<hbm>>) target(%dma_start3A_94 : memref<16000xi32, #tpu.memory_space<vmem>>) target_semaphore(%arg8 : memref<!tpu.dma_semaphore, #tpu.memory_space<semaphore_mem>>)
    %dma_wait3A = arith.constant 0 : i32
    %dma_wait3A_97 = tpu.memref_slice %arg3[%add3A, %dma_wait3A] : memref<32x20000xf32, #tpu.memory_space<hbm>> -> memref<1x20000xf32, #tpu.memory_space<hbm>>
    %dma_wait3A_98 = tpu.memref_squeeze %dma_wait3A_97 : memref<1x20000xf32, #tpu.memory_space<hbm>> -> memref<20000xf32, #tpu.memory_space<hbm>>
    %dma_wait3A_99 = arith.constant 0 : i32
    %dma_wait3A_100 = tpu.memref_slice %arg3[%add3A, %dma_wait3A_99] : memref<32x20000xf32, #tpu.memory_space<hbm>> -> memref<1x20000xf32, #tpu.memory_space<hbm>>
    %dma_wait3A_101 = tpu.memref_squeeze %dma_wait3A_100 : memref<1x20000xf32, #tpu.memory_space<hbm>> -> memref<20000xf32, #tpu.memory_space<hbm>>
    tpu.wait_dma2 semaphore(%arg9 : memref<!tpu.dma_semaphore, #tpu.memory_space<semaphore_mem>>) src(%dma_wait3A_101 : memref<20000xf32, #tpu.memory_space<hbm>>) dst(%arg6 : memref<20000xf32, #tpu.memory_space<vmem>>)
    %scan3A = arith.constant 0 : i32
    %scan3A_102 = arith.constant 20 : i32
    %scan3A_103 = arith.addi %scan3A, %scan3A_102 : i32
    %scan3A_104 = arith.constant 1 : i32
    scf.for %scan3A_117 = %scan3A to %scan3A_103 step %scan3A_104  : i32 {
      %rem3A_118 = arith.constant 2 : i32
      %rem3A_119 = arith.remsi %scan3A_117, %rem3A_118 : i32
      %add3A_120 = arith.constant 1 : i32
      %add3A_121 = arith.addi %scan3A_117, %add3A_120 : i32
      %rem3A_122 = arith.constant 20 : i32
      %rem3A_123 = arith.remsi %add3A_121, %rem3A_122 : i32
      %mul3A_124 = arith.constant 16000 : i32
      %mul3A_125 = arith.muli %rem3A_119, %mul3A_124 : i32
      %dma_wait3A_126 = tpu.memref_slice %arg5[%mul3A_125] : memref<32000xi32, #tpu.memory_space<vmem>> -> memref<16000xi32, #tpu.memory_space<vmem>>
      %dma_wait3A_127 = arith.constant 0 : i32
      %dma_wait3A_128 = tpu.memref_slice %arg2[%dma_wait3A_127] : memref<320000xi32, #tpu.memory_space<hbm>> -> memref<16000xi32, #tpu.memory_space<hbm>>
      %dma_wait3A_129 = tpu.memref_slice %arg5[%mul3A_125] : memref<32000xi32, #tpu.memory_space<vmem>> -> memref<16000xi32, #tpu.memory_space<vmem>>
      %dma_wait3A_130 = arith.constant 0 : i32
      %dma_wait3A_131 = tpu.memref_slice %arg2[%dma_wait3A_130] : memref<320000xi32, #tpu.memory_space<hbm>> -> memref<16000xi32, #tpu.memory_space<hbm>>
      tpu.wait_dma2 semaphore(%arg8 : memref<!tpu.dma_semaphore, #tpu.memory_space<semaphore_mem>>) src(%dma_wait3A_131 : memref<16000xi32, #tpu.memory_space<hbm>>) dst(%dma_wait3A_129 : memref<16000xi32, #tpu.memory_space<vmem>>)
      %add3A_132 = arith.constant 1 : i32
      %add3A_133 = arith.addi %scan3A_117, %add3A_132 : i32
      %rem3A_134 = arith.constant 2 : i32
      %rem3A_135 = arith.remsi %add3A_133, %rem3A_134 : i32
      %mul3A_136 = arith.constant 16000 : i32
      %mul3A_137 = arith.muli %rem3A_123, %mul3A_136 : i32
      %mul3A_138 = arith.constant 16000 : i32
      %mul3A_139 = arith.muli %rem3A_135, %mul3A_138 : i32
      %dma_start3A_140 = tpu.memref_slice %arg5[%mul3A_139] : memref<32000xi32, #tpu.memory_space<vmem>> -> memref<16000xi32, #tpu.memory_space<vmem>>
      %dma_start3A_141 = tpu.memref_slice %arg2[%mul3A_137] : memref<320000xi32, #tpu.memory_space<hbm>> -> memref<16000xi32, #tpu.memory_space<hbm>>
      %dma_start3A_142 = tpu.memref_slice %arg5[%mul3A_139] : memref<32000xi32, #tpu.memory_space<vmem>> -> memref<16000xi32, #tpu.memory_space<vmem>>
      %dma_start3A_143 = tpu.memref_slice %arg2[%mul3A_137] : memref<320000xi32, #tpu.memory_space<hbm>> -> memref<16000xi32, #tpu.memory_space<hbm>>
      tpu.enqueue_dma source(%dma_start3A_143 : memref<16000xi32, #tpu.memory_space<hbm>>) target(%dma_start3A_142 : memref<16000xi32, #tpu.memory_space<vmem>>) target_semaphore(%arg8 : memref<!tpu.dma_semaphore, #tpu.memory_space<semaphore_mem>>)
      %mul3A_144 = arith.constant 16000 : i32
      %mul3A_145 = arith.muli %rem3A_119, %mul3A_144 : i32
      %parallel_loop3A_146 = arith.constant 0 : i32
      %parallel_loop3A_147 = arith.constant 1000 : i32
      %parallel_loop3A_148 = arith.constant 1 : i32
      scf.for %parallel_loop3A_149 = %parallel_loop3A_146 to %parallel_loop3A_147 step %parallel_loop3A_148  : i32 {
        %parallel_loop3A_150 = arith.constant 16 : i32
        %parallel_loop3A_151 = arith.muli %parallel_loop3A_149, %parallel_loop3A_150 : i32
        %parallel_loop3A_152 = arith.addi %mul3A_145, %parallel_loop3A_151 : i32
        %parallel_loop3A_153 = arith.index_cast %parallel_loop3A_152 : i32 to index
        %parallel_loop3A_154 = tpu.vector_load %arg5[%parallel_loop3A_153] {strides = array<i32>} : memref<32000xi32, #tpu.memory_space<vmem>>, vector<16xi32>,
        %parallel_loop3A_155 = vector.shape_cast %add3A_46 : vector<16xi32> to vector<16x1xi32>
        %parallel_loop3A_156 = vector.shape_cast %parallel_loop3A_155 : vector<16x1xi32> to vector<16xi32>
        %parallel_loop3A_157 = tpu.dynamic_gather %parallel_loop3A_154[%parallel_loop3A_156] in [0] : vector<16xi32>, vector<16xi32> -> vector<16xi32>
        %parallel_loop3A_158 = arith.constant 16 : i32
        %parallel_loop3A_159 = vector.broadcast %parallel_loop3A_158 : i32 to vector<16xi32>
        %parallel_loop3A_160 = arith.shrui %parallel_loop3A_157, %parallel_loop3A_159 : vector<16xi32>
        %parallel_loop3A_161 = arith.addi %parallel_loop3A_160, %select_n3A_15 : vector<16xi32>
        %parallel_loop3A_162 = vector.bitcast %parallel_loop3A_161 : vector<16xi32> to vector<16xi32>
        %parallel_loop3A_163 = arith.constant 65535 : i32
        %parallel_loop3A_164 = vector.broadcast %parallel_loop3A_163 : i32 to vector<16xi32>
        %parallel_loop3A_165 = arith.andi %parallel_loop3A_157, %parallel_loop3A_164 : vector<16xi32>
        %parallel_loop3A_166 = arith.addi %parallel_loop3A_165, %select_n3A_15 : vector<16xi32>
        %parallel_loop3A_167 = vector.bitcast %parallel_loop3A_166 : vector<16xi32> to vector<16xi32>
        %parallel_loop3A_168 = tpu.vector_load_idx %arg6[%parallel_loop3A_162] : memref<20000xf32, #tpu.memory_space<vmem>>[vector<16xi32>], vector<16xf32>,
        tpu.vector_store_idx %arg7[%parallel_loop3A_167], %parallel_loop3A_168 {add = true} : memref<20000xf32, #tpu.memory_space<vmem>>[vector<16xi32>], vector<16xf32>,
        %parallel_loop3A_169 = vector.shape_cast %add3A_80 : vector<16xi32> to vector<16x1xi32>
        %parallel_loop3A_170 = vector.shape_cast %parallel_loop3A_169 : vector<16x1xi32> to vector<16xi32>
        %parallel_loop3A_171 = tpu.dynamic_gather %parallel_loop3A_154[%parallel_loop3A_170] in [0] : vector<16xi32>, vector<16xi32> -> vector<16xi32>
        %parallel_loop3A_172 = arith.constant 16 : i32
        %parallel_loop3A_173 = vector.broadcast %parallel_loop3A_172 : i32 to vector<16xi32>
        %parallel_loop3A_174 = arith.shrui %parallel_loop3A_171, %parallel_loop3A_173 : vector<16xi32>
        %parallel_loop3A_175 = arith.addi %parallel_loop3A_174, %select_n3A_15 : vector<16xi32>
        %parallel_loop3A_176 = vector.bitcast %parallel_loop3A_175 : vector<16xi32> to vector<16xi32>
        %parallel_loop3A_177 = arith.constant 65535 : i32
        %parallel_loop3A_178 = vector.broadcast %parallel_loop3A_177 : i32 to vector<16xi32>
        %parallel_loop3A_179 = arith.andi %parallel_loop3A_171, %parallel_loop3A_178 : vector<16xi32>
        %parallel_loop3A_180 = arith.addi %parallel_loop3A_179, %select_n3A_15 : vector<16xi32>
        %parallel_loop3A_181 = vector.bitcast %parallel_loop3A_180 : vector<16xi32> to vector<16xi32>
        %parallel_loop3A_182 = tpu.vector_load_idx %arg6[%parallel_loop3A_176] : memref<20000xf32, #tpu.memory_space<vmem>>[vector<16xi32>], vector<16xf32>,
        tpu.vector_store_idx %arg7[%parallel_loop3A_181], %parallel_loop3A_182 {add = true} : memref<20000xf32, #tpu.memory_space<vmem>>[vector<16xi32>], vector<16xf32>,
      } {sc.loop_unroll_factor = 2 : i64, sc.parallel_access}
    }
    %scan3A_105 = arith.constant 20 : i32
    %rem3A_106 = arith.constant 20 : i32
    %rem3A_107 = arith.constant 2 : i32
    %rem3A_108 = arith.remsi %rem3A_106, %rem3A_107 : i32
    %mul3A_109 = arith.constant 16000 : i32
    %mul3A_110 = arith.muli %rem3A_108, %mul3A_109 : i32
    %dma_wait3A_111 = tpu.memref_slice %arg5[%mul3A_110] : memref<32000xi32, #tpu.memory_space<vmem>> -> memref<16000xi32, #tpu.memory_space<vmem>>
    %dma_wait3A_112 = arith.constant 0 : i32
    %dma_wait3A_113 = tpu.memref_slice %arg2[%dma_wait3A_112] : memref<320000xi32, #tpu.memory_space<hbm>> -> memref<16000xi32, #tpu.memory_space<hbm>>
    %dma_wait3A_114 = tpu.memref_slice %arg5[%mul3A_110] : memref<32000xi32, #tpu.memory_space<vmem>> -> memref<16000xi32, #tpu.memory_space<vmem>>
    %dma_wait3A_115 = arith.constant 0 : i32
    %dma_wait3A_116 = tpu.memref_slice %arg2[%dma_wait3A_115] : memref<320000xi32, #tpu.memory_space<hbm>> -> memref<16000xi32, #tpu.memory_space<hbm>>
    tpu.wait_dma2 semaphore(%arg8 : memref<!tpu.dma_semaphore, #tpu.memory_space<semaphore_mem>>) src(%dma_wait3A_116 : memref<16000xi32, #tpu.memory_space<hbm>>) dst(%dma_wait3A_114 : memref<16000xi32, #tpu.memory_space<vmem>>)
    "tpu.region"() ({
      %run_scoped3A = tpu.sem_alloc : memref<!tpu.dma_semaphore, #tpu.memory_space<semaphore_mem>>
      %dma_start3A_117 = arith.constant 0 : i32
      %dma_start3A_118 = tpu.memref_slice %arg4[%add3A, %dma_start3A_117] : memref<32x20000xf32, #tpu.memory_space<hbm>> -> memref<1x20000xf32, #tpu.memory_space<hbm>>
      %dma_start3A_119 = tpu.memref_squeeze %dma_start3A_118 : memref<1x20000xf32, #tpu.memory_space<hbm>> -> memref<20000xf32, #tpu.memory_space<hbm>>
      %dma_start3A_120 = arith.constant 0 : i32
      %dma_start3A_121 = tpu.memref_slice %arg4[%add3A, %dma_start3A_120] : memref<32x20000xf32, #tpu.memory_space<hbm>> -> memref<1x20000xf32, #tpu.memory_space<hbm>>
      %dma_start3A_122 = tpu.memref_squeeze %dma_start3A_121 : memref<1x20000xf32, #tpu.memory_space<hbm>> -> memref<20000xf32, #tpu.memory_space<hbm>>
      tpu.enqueue_dma source(%arg7 : memref<20000xf32, #tpu.memory_space<vmem>>) target(%dma_start3A_122 : memref<20000xf32, #tpu.memory_space<hbm>>) target_semaphore(%run_scoped3A : memref<!tpu.dma_semaphore, #tpu.memory_space<semaphore_mem>>)
      %dma_wait3A_123 = arith.constant 0 : i32
      %dma_wait3A_124 = tpu.memref_slice %arg4[%add3A, %dma_wait3A_123] : memref<32x20000xf32, #tpu.memory_space<hbm>> -> memref<1x20000xf32, #tpu.memory_space<hbm>>
      %dma_wait3A_125 = tpu.memref_squeeze %dma_wait3A_124 : memref<1x20000xf32, #tpu.memory_space<hbm>> -> memref<20000xf32, #tpu.memory_space<hbm>>
      %dma_wait3A_126 = arith.constant 0 : i32
      %dma_wait3A_127 = tpu.memref_slice %arg4[%add3A, %dma_wait3A_126] : memref<32x20000xf32, #tpu.memory_space<hbm>> -> memref<1x20000xf32, #tpu.memory_space<hbm>>
      %dma_wait3A_128 = tpu.memref_squeeze %dma_wait3A_127 : memref<1x20000xf32, #tpu.memory_space<hbm>> -> memref<20000xf32, #tpu.memory_space<hbm>>
      tpu.wait_dma2 semaphore(%run_scoped3A : memref<!tpu.dma_semaphore, #tpu.memory_space<semaphore_mem>>) src(%arg7 : memref<20000xf32, #tpu.memory_space<vmem>>) dst(%dma_wait3A_128 : memref<20000xf32, #tpu.memory_space<hbm>>)
      tpu.yield
    }) : () -> ()
    return
  }
}

module attributes {stable_mosaic.version = 14 : i64} {
  func.func @_mm1_body(%arg0: i32, %arg1: memref<1000x256xf32, #tpu.memory_space<vmem>>, %arg2: memref<256x128xf32, #tpu.memory_space<vmem>>, %arg3: memref<1000x128xf32, #tpu.memory_space<vmem>>) attributes {dimension_semantics = [#tpu.dimension_semantics<arbitrary>], iteration_bounds = array<i64: 10>, scalar_prefetch = 0 : i64, scratch_operands = 0 : i64, tpu.core_type = #tpu.core_type<tc>, window_params = [{transform_indices = @transform_0, window_bounds = array<i64: 1000, 256>}, {pipeline_mode = #tpu.pipeline_mode<synchronous>, transform_indices = @transform_1, window_bounds = array<i64: 256, 128>}, {transform_indices = @transform_2, window_bounds = array<i64: 1000, 128>}]} {
    %get3A = arith.constant 0 : index
    %get3A_0 = arith.constant 0 : index
    %get3A_1 = vector.load %arg1[%get3A, %get3A_0] : memref<1000x256xf32, #tpu.memory_space<vmem>>, vector<1000x256xf32>
    %get3A_2 = arith.constant 0 : index
    %get3A_3 = arith.constant 0 : index
    %get3A_4 = vector.load %arg2[%get3A_2, %get3A_3] : memref<256x128xf32, #tpu.memory_space<vmem>>, vector<256x128xf32>
    %dot_general3A = arith.constant dense<0.000000e+00> : vector<1000x128xf32>
    %dot_general3A_5 = tpu.matmul %get3A_1, %get3A_4, %dot_general3A {dimension_numbers = #tpu.dot_dimension_numbers<[1], [0], [0], [1], [0, 0, 1, 1], [], []>, transpose_lhs_hint = false} : vector<1000x256xf32>, vector<256x128xf32>, vector<1000x128xf32> -> vector<1000x128xf32>
    %swap3A = arith.constant 0 : index
    %swap3A_6 = arith.constant 0 : index
    %swap3A_7 = vector.load %arg3[%swap3A, %swap3A_6] : memref<1000x128xf32, #tpu.memory_space<vmem>>, vector<1000x128xf32>
    tpu.vector_store %arg3[%swap3A, %swap3A_6], %dot_general3A_5 {strides = array<i32>} : memref<1000x128xf32, #tpu.memory_space<vmem>>, vector<1000x128xf32>,
    return
  }
  func.func @transform_0(%arg0: i32) -> (i32, i32) {
    %c0_i32 = arith.constant 0 : i32
    %c0_i32_0 = arith.constant 0 : i32
    return %arg0, %c0_i32 : i32, i32
  }
  func.func @transform_1(%arg0: i32) -> (i32, i32) {
    %c0_i32 = arith.constant 0 : i32
    %c0_i32_0 = arith.constant 0 : i32
    %c0_i32_1 = arith.constant 0 : i32
    return %c0_i32, %c0_i32_0 : i32, i32
  }
  func.func @transform_2(%arg0: i32) -> (i32, i32) {
    %c0_i32 = arith.constant 0 : i32
    %c0_i32_0 = arith.constant 0 : i32
    return %arg0, %c0_i32 : i32, i32
  }
}

module attributes {stable_mosaic.version = 14 : i64} {
  func.func @_mid_body(%arg0: i32, %arg1: memref<1000x128xf32, #tpu.memory_space<vmem>>, %arg2: memref<1000x128xf32, #tpu.memory_space<vmem>>, %arg3: memref<128x64xf32, #tpu.memory_space<vmem>>, %arg4: memref<1000x64xf32, #tpu.memory_space<vmem>>) attributes {dimension_semantics = [#tpu.dimension_semantics<arbitrary>], iteration_bounds = array<i64: 10>, scalar_prefetch = 0 : i64, scratch_operands = 0 : i64, tpu.core_type = #tpu.core_type<tc>, window_params = [{transform_indices = @transform_0, window_bounds = array<i64: 1000, 128>}, {transform_indices = @transform_1, window_bounds = array<i64: 1000, 128>}, {pipeline_mode = #tpu.pipeline_mode<synchronous>, transform_indices = @transform_2, window_bounds = array<i64: 128, 64>}, {transform_indices = @transform_3, window_bounds = array<i64: 1000, 64>}]} {
    %get3A = arith.constant 0 : index
    %get3A_0 = arith.constant 0 : index
    %get3A_1 = vector.load %arg1[%get3A, %get3A_0] : memref<1000x128xf32, #tpu.memory_space<vmem>>, vector<1000x128xf32>
    %max3A = arith.constant 0.000000e+00 : f32
    %max3A_2 = vector.broadcast %max3A : f32 to vector<1000x128xf32>
    %max3A_3 = arith.maximumf %get3A_1, %max3A_2 : vector<1000x128xf32>
    %get3A_4 = arith.constant 0 : index
    %get3A_5 = arith.constant 0 : index
    %get3A_6 = vector.load %arg2[%get3A_4, %get3A_5] : memref<1000x128xf32, #tpu.memory_space<vmem>>, vector<1000x128xf32>
    %add3A = arith.addf %max3A_3, %get3A_6 : vector<1000x128xf32>
    %get3A_7 = arith.constant 0 : index
    %get3A_8 = arith.constant 0 : index
    %get3A_9 = vector.load %arg3[%get3A_7, %get3A_8] : memref<128x64xf32, #tpu.memory_space<vmem>>, vector<128x64xf32>
    %dot_general3A = arith.constant dense<0.000000e+00> : vector<1000x64xf32>
    %dot_general3A_10 = tpu.matmul %add3A, %get3A_9, %dot_general3A {dimension_numbers = #tpu.dot_dimension_numbers<[1], [0], [0], [1], [0, 0, 1, 1], [], []>, transpose_lhs_hint = false} : vector<1000x128xf32>, vector<128x64xf32>, vector<1000x64xf32> -> vector<1000x64xf32>
    %swap3A = arith.constant 0 : index
    %swap3A_11 = arith.constant 0 : index
    %swap3A_12 = vector.load %arg4[%swap3A, %swap3A_11] : memref<1000x64xf32, #tpu.memory_space<vmem>>, vector<1000x64xf32>
    tpu.vector_store %arg4[%swap3A, %swap3A_11], %dot_general3A_10 {strides = array<i32>} : memref<1000x64xf32, #tpu.memory_space<vmem>>, vector<1000x64xf32>,
    return
  }
  func.func @transform_0(%arg0: i32) -> (i32, i32) {
    %c0_i32 = arith.constant 0 : i32
    %c0_i32_0 = arith.constant 0 : i32
    return %arg0, %c0_i32 : i32, i32
  }
  func.func @transform_1(%arg0: i32) -> (i32, i32) {
    %c0_i32 = arith.constant 0 : i32
    %c0_i32_0 = arith.constant 0 : i32
    return %arg0, %c0_i32 : i32, i32
  }
  func.func @transform_2(%arg0: i32) -> (i32, i32) {
    %c0_i32 = arith.constant 0 : i32
    %c0_i32_0 = arith.constant 0 : i32
    %c0_i32_1 = arith.constant 0 : i32
    return %c0_i32, %c0_i32_0 : i32, i32
  }
  func.func @transform_3(%arg0: i32) -> (i32, i32) {
    %c0_i32 = arith.constant 0 : i32
    %c0_i32_0 = arith.constant 0 : i32
    return %arg0, %c0_i32 : i32, i32
  }
}

module attributes {stable_mosaic.version = 14 : i64} {
  func.func @_dec_body(%arg0: i32, %arg1: memref<200x64xf32, #tpu.memory_space<vmem>>, %arg2: memref<10000x64xf32, #tpu.memory_space<vmem>>, %arg3: memref<200x10000xf32, #tpu.memory_space<vmem>>) attributes {dimension_semantics = [#tpu.dimension_semantics<arbitrary>], iteration_bounds = array<i64: 50>, scalar_prefetch = 0 : i64, scratch_operands = 0 : i64, tpu.core_type = #tpu.core_type<tc>, window_params = [{transform_indices = @transform_0, window_bounds = array<i64: 200, 64>}, {pipeline_mode = #tpu.pipeline_mode<synchronous>, transform_indices = @transform_1, window_bounds = array<i64: 10000, 64>}, {transform_indices = @transform_2, window_bounds = array<i64: 200, 10000>}]} {
    %get3A = arith.constant 0 : index
    %get3A_0 = arith.constant 0 : index
    %get3A_1 = vector.load %arg1[%get3A, %get3A_0] : memref<200x64xf32, #tpu.memory_space<vmem>>, vector<200x64xf32>
    %get3A_2 = arith.constant 0 : index
    %get3A_3 = arith.constant 0 : index
    %get3A_4 = vector.load %arg2[%get3A_2, %get3A_3] : memref<10000x64xf32, #tpu.memory_space<vmem>>, vector<10000x64xf32>
    %dot_general3A = arith.constant dense<0.000000e+00> : vector<200x10000xf32>
    %dot_general3A_5 = tpu.matmul %get3A_1, %get3A_4, %dot_general3A {dimension_numbers = #tpu.dot_dimension_numbers<[1], [1], [0], [0], [0, 0, 1, 0], [], []>, transpose_lhs_hint = false} : vector<200x64xf32>, vector<10000x64xf32>, vector<200x10000xf32> -> vector<200x10000xf32>
    %swap3A = arith.constant 0 : index
    %swap3A_6 = arith.constant 0 : index
    %swap3A_7 = vector.load %arg3[%swap3A, %swap3A_6] : memref<200x10000xf32, #tpu.memory_space<vmem>>, vector<200x10000xf32>
    tpu.vector_store %arg3[%swap3A, %swap3A_6], %dot_general3A_5 {strides = array<i32>} : memref<200x10000xf32, #tpu.memory_space<vmem>>, vector<200x10000xf32>,
    return
  }
  func.func @transform_0(%arg0: i32) -> (i32, i32) {
    %c0_i32 = arith.constant 0 : i32
    %c0_i32_0 = arith.constant 0 : i32
    return %arg0, %c0_i32 : i32, i32
  }
  func.func @transform_1(%arg0: i32) -> (i32, i32) {
    %c0_i32 = arith.constant 0 : i32
    %c0_i32_0 = arith.constant 0 : i32
    %c0_i32_1 = arith.constant 0 : i32
    return %c0_i32, %c0_i32_0 : i32, i32
  }
  func.func @transform_2(%arg0: i32) -> (i32, i32) {
    %c0_i32 = arith.constant 0 : i32
    %c0_i32_0 = arith.constant 0 : i32
    return %arg0, %c0_i32 : i32, i32
  }
}

</mosaic_0001>

<sc_bundles>
// kernel: kernel.10.cloned.1.call-start
scs
__scs_entry_jumppad:
0x0: {  	(pc) =	sbr.rel $0x88, $3  }
0x1: {  	(tag) =	ssettag $0x0;
	lr =	simm.s32 $0x1  }
0x2: {  	[smem:$0x3F9D] =	sst lr;
	_ =	strace $0xD0000000  }
0x3: {  	_ = 	snop  }
0x4: {  	_ = 	snop  }
0x5: {  	_ = 	snop  }
0x6: {  	_ = 	snop  }
0x7: {  	_ = 	snop  }
__scs_overlays_trampoline_lowered:
0x8: {  	[smem:$0x3FAC] =	sst s0  }
0x9: {  	[smem:$0x3FAD] =	sst s1  }
0xa: {  	[smem:$0x3FAE] =	sst s2  }
0xb: {  	[smem:$0x3FAF] =	sst s3  }
0xc: {  	[smem:$0x3FB0] =	sst s4  }
0xd: {  	[smem:$0x3FB1] =	sst s5  }
0xe: {  	[smem:$0x3FB2] =	sst s6  }
0xf: {  	[smem:$0x3FB3] =	sst s7  }
0x10: {  	[smem:$0x3FB4] =	sst s8  }
0x11: {  	[smem:$0x3FB5] =	sst s9;
	s0 =	simm.s32 @!p0 $0x0  }
0x12: {  	s1 =	sld [smem:$0x3F9B];
	s0 =	simm.s32 @p0 $0x1  }
0x13: {  	[smem:$0x3FB6] =	sst s0;
	s0 =	simm.s32 @!p1 $0x0  }
0x14: {  	s2 =	sld [smem:$0x3F9A];
	s0 =	simm.s32 @p1 $0x1  }
0x15: {  	[smem:$0x3FB7] =	sst s0;
	s0 =	simm.s32 @!p2 $0x0  }
0x16: {  	s3 =	sld [smem:$0x3FDB];
	s0 =	simm.s32 @p2 $0x1  }
0x17: {  	s4 =	simm.s32 $0x1BF5;
	[smem:$0x3FB9] =	sst s0  }
0x18: {  	s0 =	sld [smem:$0x3F9C];
	_ =	swait.ge [sflag:s4], $0x0  }
0x19: {  	s7 =	sld [smem:$0x3F9D]  }
0x1a: {  	s8 =	sadd.s32 $0xFFFFE003, lr  }
0x1b: {  	s9 =	sadd.s32 $0xFFFFFEF7, lr;
	s5 =	simm.s32 $0xFFFFFFFF;
	p2 =	slt.u32 s8, $0xFFFFF086  }
0x1c: {  	p1 =	slt.u32 s9, $0xF7A;
	s5 =	simm.s32 @!p2 $0x0  }
0x1d: {  	s5 =	simm.s32 @p1 $0x1;
	p0 =	seq.s32 s7, s2  }
0x1e: {  	s7 =	smul.u32 @!p0 $0xF7A, s2;
	p2 =	seq.s32 @!p0 s5, $0x0  }
0x1f: {  	s9 =	smul.u32 $0xF7A, s1;
	s8 =	simm.s32 @!p0 $0x1BF5;
	p2 =	por !p2, p0  }
0x20: {  	[sflag:s8] =	ssyncset.s32 @!p0 $0xFFFFF086;
	s6 =	sadd.s32 @!p0 s3, s7;
	s7 =	simm.s32 @!p0 $0x108  }
0x21: {  	s3 =	sadd.s32 s3, s9;
	s6 =	sadd.s32 @!p0 $0x88, s6;
	s7 =	simm.s32 @p2 $0x1082  }
0x22: {  	[simem:s7], [sflag:s8] =	dma.local @!p0 [hbm:s6], $0xF7A  }
0x23: {  	s9 =	sor.u32 $0xD0000000, s2;
	s6 =	simm.s32 $0x108;
	_ =	swait.ge @!p0 [sflag:s8], $0x0  }
0x24: {  	s3 =	sadd.s32 $0x88, s3;
	s6 =	simm.s32 @!p1 $0x1082;
	[sflag:s4] =	ssyncset.s32 $0xFFFFF086  }
0x25: {  	[simem:s6], [sflag:s4] =	dma.local [hbm:s3], $0xF7A  }
0x26: {  	[smem:$0x3F9D] =	sst s1;
	(tag) =	ssettag s2;
	_ =	strace s9  }
0x27: {  	s1 =	sld [smem:$0x3FAD]  }
0x28: {  	s2 =	sld [smem:$0x3FAE]  }
0x29: {  	s4 =	sld [smem:$0x3FB0]  }
0x2a: {  	p0 =	seq.s32 s5, $0x0;
	s5 =	sld [smem:$0x3FB1]  }
0x2b: {  	s6 =	sld [smem:$0x3FB2]  }
0x2c: {  	s7 =	sld [smem:$0x3FB3]  }
0x2d: {  	s3 =	simm.s32 $0x108;
	s8 =	sld [smem:$0x3FB4]  }
0x2e: {  	s3 =	simm.s32 @!p0 $0x1082;
	s9 =	sld [smem:$0x3FB5]  }
0x2f: {  	lr =	sadd.s32 s0, s3;
	s0 =	sld [smem:$0x3FAC]  }
0x30: {  	s3 =	sld [smem:$0x3FAF]  }
0x31: {  	[smem:$0x3FB8] =	sst s10  }
0x32: {  	s10 =	sld [smem:$0x3FB6];
	_ =	sdelay $0x3  }
0x33: {  	p0 =	seq.s32 s10, $0x1;
	s10 =	sld [smem:$0x3FB8];
	_ =	sdelay $0x3  }
0x34: {  	[smem:$0x3FB8] =	sst s10  }
0x35: {  	s10 =	sld [smem:$0x3FB7];
	_ =	sdelay $0x3  }
0x36: {  	p1 =	seq.s32 s10, $0x1;
	s10 =	sld [smem:$0x3FB8];
	_ =	sdelay $0x3  }
0x37: {  	[smem:$0x3FB8] =	sst s10  }
0x38: {  	s10 =	sld [smem:$0x3FB9]  }
0x39: {  	_ = 	snop;
	(pc) =	sbr.ind lr, $3  }
0x3a: {  	_ = 	snop  }
0x3b: {  	_ = 	snop  }
0x3c: {  	p2 =	seq.s32 s10, $0x1;
	s10 =	sld [smem:$0x3FB8]  }
0x3d: {  	_ =	shalt  }
0x3e: {  	_ =	shalt  }
0x3f: {  	_ =	shalt  }
0x40: {  	_ =	shalt  }
0x41: {  	_ =	shalt  }
0x42: {  	_ =	shalt  }
0x43: {  	_ =	shalt  }
0x44: {  	_ =	shalt  }
0x45: {  	_ =	shalt  }
0x46: {  	_ =	shalt  }
0x47: {  	_ =	shalt  }
0x48: {  	_ =	shalt  }
0x49: {  	_ =	shalt  }
0x4a: {  	_ =	shalt  }
0x4b: {  	_ =	shalt  }
0x4c: {  	_ =	shalt  }
0x4d: {  	_ =	shalt  }
0x4e: {  	_ =	shalt  }
0x4f: {  	_ =	shalt  }
0x50: {  	_ =	shalt  }
0x51: {  	_ =	shalt  }
0x52: {  	_ =	shalt  }
0x53: {  	_ =	shalt  }
0x54: {  	_ =	shalt  }
0x55: {  	_ =	shalt  }
0x56: {  	_ =	shalt  }
0x57: {  	_ =	shalt  }
0x58: {  	_ =	shalt  }
0x59: {  	_ =	shalt  }
0x5a: {  	_ =	shalt  }
0x5b: {  	_ =	shalt  }
0x5c: {  	_ =	shalt  }
0x5d: {  	_ =	shalt  }
0x5e: {  	_ =	shalt  }
0x5f: {  	_ =	shalt  }
0x60: {  	_ =	shalt  }
0x61: {  	_ =	shalt  }
0x62: {  	_ =	shalt  }
0x63: {  	_ =	shalt  }
0x64: {  	_ =	shalt  }
0x65: {  	_ =	shalt  }
0x66: {  	_ =	shalt  }
0x67: {  	_ =	shalt  }
0x68: {  	_ =	shalt  }
0x69: {  	_ =	shalt  }
0x6a: {  	_ =	shalt  }
0x6b: {  	_ =	shalt  }
0x6c: {  	_ =	shalt  }
0x6d: {  	_ =	shalt  }
0x6e: {  	_ =	shalt  }
0x6f: {  	_ =	shalt  }
0x70: {  	_ =	shalt  }
0x71: {  	_ =	shalt  }
0x72: {  	_ =	shalt  }
0x73: {  	_ =	shalt  }
0x74: {  	_ =	shalt  }
0x75: {  	_ =	shalt  }
0x76: {  	_ =	shalt  }
0x77: {  	_ =	shalt  }
0x78: {  	_ =	shalt  }
0x79: {  	_ =	shalt  }
0x7a: {  	_ =	shalt  }
0x7b: {  	_ =	shalt  }
0x7c: {  	_ =	shalt  }
0x7d: {  	_ =	shalt  }
0x7e: {  	_ =	shalt  }
0x7f: {  	_ =	shalt  }
0x80: {  	_ =	shalt  }
0x81: {  	_ =	shalt  }
0x82: {  	_ =	shalt  }
0x83: {  	_ =	shalt  }
0x84: {  	_ =	shalt  }
0x85: {  	_ =	shalt  }
0x86: {  	_ =	shalt  }
0x87: {  	_ =	shalt  }
.Lfunc_end0:
.L_simem_size_0:
called_computation.1_lowered:
.L_overlay_start_0:
0x88: {  	s2 =	sld [smem:$0x3FD9]  }
0x89: {  	s3 =	sld [smem:$0x3FFE];
	_ =	sdelay $0x1  }
0x8a: {  	s1 =	srdreg.scid  }
0x8b: {  	s0 =	sand.u32 $0x1, s1  }
0x8c: {  	s17 =	sshll.u32 s0, $0xA;
	s2 =	sadd.s32 s3, s2  }
0x8d: {  	s2 =	sadd.s32 s2, s17  }
0x8e: {  	[smem:$0x3FC4] =	sst s2  }
0x8f: {  	_ = 	snop  }
0x90: {  	s2 =	sld [smem:$0x3FD0];
	(tm) =	ssettm $0x1  }
0x91: {  	s18 =	sld [smem:$0x3FFB];
	_ =	sdelay $0x3  }
0x92: {  	_ =	strace s18  }
0x93: {  	s3 =	sld [smem:$0x3FFC];
	_ =	sdelay $0x3  }
0x94: {  	_ =	strace s3  }
0x95: {  	s3 =	sld [smem:$0x3FFD];
	_ =	sdelay $0x3  }
0x96: {  	_ =	strace s3  }
0x97: {  	_ =	strace $0x8FFFFFFF  }
0x98: {  	s19 =	sld [smem:$0x3FDB];
	_ =	sdelay $0x1  }
0x99: {  	s4 =	simm.s32 $_scs_section_size  }
0x9a: {  	s5 =	simm.s32 $_size__tile_overlayer_lowered;
	s6 =	simm.s32 $_tile_overlayer_lowered  }
0x9b: {  	s22 =	simm.s32 $0x1BFF;
	s21 =	sshll.u32 s6, $0x1;
	s3 =	sadd.s32 s4, s19  }
0x9c: {  	s7 =	simm.s32 $0x0;
	s20 =	sshll.u32 s5, $0x1;
	s5 =	sadd.s32 s21, s3  }
0x9d: {  	[timem:s7], [sflag:s22] =	dma.local [hbm:s5], s20  }
0x9e: {  	_ =	swait.ge [sflag:s22], s20  }
0x9f: {  	s4 =	ssub.s32 $0x0, s20;
	[sflag:s22] =	ssyncset.done $0x0  }
0xa0: {  	[sflag:s22] =	ssyncadd.s32 s4;
	_ =	sdelay $0x1  }
0xa1: {  	s23 =	simm.s32 $0x1B8B  }
0xa2: {  	_ =	swait.ge [sflag:s23], $0x1  }
0xa3: {  	[sflag:s23] =	ssyncset.done $0x0  }
0xa4: {  	s25 =	simm.s32 $0x1B8E;
	s24 =	sld [smem:$0x3FFE];
	[sflag:s23] =	ssyncadd.s32 $0xFFFFFFFF  }
0xa5: {  	s26 =	simm.s32 $execute0_lowered;
	[smem:$0x3FD2] =	sst s25  }
0xa6: {  	s5 =	sshll.u32 s26, $0x1;
	_ =	strace $0x80000049;
	[dreg:$0x1] =	wrdreg $0xFFFFFFFF  }
0xa7: {  	s28 =	simm.s32 $_size_execute0_lowered;
	s3 =	sadd.s32 s3, s5;
	[dreg:$0x0] =	wrdreg $0x0  }
0xa8: {  	s5 =	sshll.u32 s28, $0x1;
	[dreg:$0x2] =	wrdreg s3  }
0xa9: {  	[dreg:$0x3] =	wrdreg s5  }
0xaa: {  	[dreg:$0x4] =	wrdreg $0xC0  }
0xab: {  	_ =	task [dreg:s7], $0x5FFFF  }
0xac: {  	[dreg:$0x1] =	wrdreg $0xFFFFFFFF  }
0xad: {  	[dreg:$0x0] =	wrdreg $0x60  }
0xae: {  	[dreg:$0x2] =	wrdreg s24  }
0xaf: {  	[dreg:$0x3] =	wrdreg s2  }
0xb0: {  	[dreg:$0x4] =	wrdreg $0x9  }
0xb1: {  	_ =	task.clear_ibuf [dreg:s7], $0x5FFFF;
	_ =	strace $0x90000049  }
0xb2: {  	s29 =	simm.s32 $0x9;
	_ =	strace $0x8000004B  }
0xb3: {  	_ =	swait.ge [sflag:s29], $0x1  }
0xb4: {  	[sflag:s29] =	ssyncadd.s32 $0xFFFFFFFF  }
0xb5: {  	_ =	strace $0x9000004B  }
0xb6: {  	_ =	sfence  }
0xb7: {  	s30 =	sld [smem:$0x0];
	_ =	sdelay $0x2  }
0xb8: {  	s31 =	sshll.u32 s1, $0xD;
	s1 =	sshrl.u32 s1, $0x2  }
0xb9: {  	s3 =	sand.u32 $0x4000, s31;
	s1 =	sadd.s32 s1, s30  }
0xba: {  	s0 =	sor.u32 s3, s0;
	s1 =	sshll.u32 s1, $0x11  }
0xbb: {  	s0 =	sor.u32 s1, s0  }
0xbc: {  	s0 =	sadd.s32 $0x8F2B, s0  }
0xbd: {  	[sflag:s0] =	ssyncadd.remote.s32 $0x1  }
0xbe: {  	_ =	sfence.sel $0xFFFF  }
0xbf: {  	[dreg:$0x0] =	wrdreg $0xFFFFFFFF;
	(pc) =	sbr.abs _section_cstart, $3  }
0xc0: {  	[dreg:$0x1] =	wrdreg $0xFFFFFFFF  }
0xc1: {  	_ =	task.clear_ibuf [dreg:s7], $0x2FFFF;
	_ =	strace $0x9FFFFFFF  }
0xc2: {  	(tm) =	ssettm $0x7FFFFFFF  }
0xc3: {  	_ =	shalt  }
tec
execute0_lowered:
.L_overlay_start_1:
0x0: {  	(tag) =	ssettag $0x1  }
0x1: {  	s4 =	rddreg [dreg:$0x0]  }
0x2: {  	s5 =	rddreg [dreg:$0x1]  }
0x3: {  	s0 =	rddreg [dreg:$0x2];
	s2 =	simm.s32 $0x0;
	s3 =	srdreg.scid  }
0x4: {  	s1 =	stileid.u32;
	s10 =	simm.s32 $0x2;
	s11 =	simm.s32 $0x1  }
0x5: {  	s12 =	simm.s32 $0xCB80;
	s13 =	simm.s32 $0x3;
	s3 =	sand.u32 $0x1, s3  }
0x6: {  	s6 =	sshrl.u32 s1, $0x2;
	s7 =	sshll.u32 s1, $0x8;
	[smem:$0x7FF] =	sst s2  }
0x7: {  	s6 =	smul.u32 $0x27400, s6;
	s8 =	sshll.u32 s3, $0x7;
	s7 =	sand.u32 $0x300, s7  }
0x8: {  	_ =	strace $0x8000004A;
	s30 =	ssub.s32 $0x2, s3;
	s7 =	sor.u32 s8, s7  }
0x9: {  	s3 =	sadd.s32 $0xA600, s4;
	s31 =	sshrl.u32 s30, $0x1;
	s6 =	sor.u32 s6, s7  }
0xa: {  	v2 =	vlaneseq.u32;
	s8 =	simm.s32 $0x400;
	s7 =	ssub.s32 s30, s31;
	s6 =	sshrl.u32 s6, $0x3  }
0xb: {  	v0 =	vshrl.u32 v2, $0x1;
	s9 =	sadd.s32 s6, s4;
	s4 =	sadd.s32 s5, s6;
	s6 =	smax.u32 s7, $0x1  }
0xc: {  	v1 =	vimm.f32 $0.0e+00;
	v2 =	vand.u32 $0x1, v2;
	v3 =	vor.u32 $0x8, v0;
	s7 =	simm.s32 $0x80;
	s5 =	sadd.s32 $0x14400, s9;
	s9 =	simm.s32 $0x7D00  }
.LBB2_1:
0xd: {  	[tilespmem:s9], [sflag:$0x2] =	stream.strided.gather [hbm4b:s4+s7], $0x4E80, s8, s7, $0x38;
	[tilespmem:$0x11A00] =	vst v63  }
0xe: {  	s14 =	simm.s32 $0xCBC0  }
0xf: {  	[tilespmem:s14+$0xFFFFFFC0] =	vst v1  }
0x10: {  	[tilespmem:s14+$0x30] =	vst v1  }
0x11: {  	[tilespmem:s14+$0x20] =	vst v1  }
0x12: {  	[tilespmem:s14+$0x10] =	vst v1  }
0x13: {  	[tilespmem:s14+$0x0] =	vst v1  }
0x14: {  	[tilespmem:s14+$0xFFFFFFF0] =	vst v1  }
0x15: {  	s15 =	simm.s32 $0x0;
	[tilespmem:s14+$0xFFFFFFE0] =	vst v1  }
.LBB2_2:
0x16: {  	s15 =	sadd.s32 $0x8, s15;
	[tilespmem:s14+$0xFFFFFFD0] =	vst v1;
	s14 =	sadd.s32 $0x80, s14  }
0x17: {  	[tilespmem:s14+$0xFFFFFFC0] =	vst v1;
	p0 =	slt.u32 s15, $0x4D8  }
0x18: {  	[tilespmem:s14+$0x30] =	vst v1  }
.Ltmp0:
0x19: {  	[tilespmem:s14+$0x20] =	vst v1;
	(pc) =	sbr.rel @p0 .LBB2_2-.Ltmp0, $4  }
0x1a: {  	[tilespmem:s14+$0x10] =	vst v1  }
0x1b: {  	[tilespmem:s14+$0x0] =	vst v1  }
0x1c: {  	[tilespmem:s14+$0xFFFFFFF0] =	vst v1  }
0x1d: {  	[tilespmem:s14+$0xFFFFFFE0] =	vst v1  }
0x1e: {  	[tilespmem:s14+$0xFFFFFFD0] =	vst v1;
	s14 =	simm.s32 $0x0  }
.LBB2_4:
0x1f: {  	p0 =	sne.s32 s14, $0x40  }
.Ltmp1:
0x20: {  	_ = 	snop;
	(pc) =	sbr.rel @p0 .LBB2_4-.Ltmp1, $3  }
0x21: {  	_ =	sdelay $0x1  }
0x22: {  	s15 =	sshra.s32 s14, $0x2  }
0x23: {  	s14 =	sadd.s32 $0x40, s14;
	[tilespmem:s15+$0x11980] =	vst v1  }
0x24: {  	s14 =	simm.s32 $0x0  }
0x25: {  	[tilespmem:s14], [sflag:$0x1] =	stream.linear.gather [hbm4b:s3+s14], $0x3E80, $0x38;
	[tilespmem:$0x11A00] =	vst v63  }
0x26: {  	_ =	swait.ge [sflag:s10], $0x4E80  }
0x27: {  	[sflag:s10] =	ssyncset.done $0x0  }
0x28: {  	s15 =	simm.s32 $0x0;
	[sflag:s10] =	ssyncadd.s32 $0xFFFFB180  }
.LBB2_7:
0x29: {  	s16 =	sand.u32 $0x1, s15;
	s15 =	sadd.s32 $0x1, s15  }
0x2a: {  	_ =	swait.ge [sflag:s11], $0x3E80;
	p0 =	seq.s32 s16, $0x1;
	s16 =	simm.s32 $0x3E80  }
0x2b: {  	s17 =	smul.u32 $0x7D0, s15;
	[sflag:s11] =	ssyncset.done $0x0;
	s18 =	sand.u32 $0x1, s15  }
0x2c: {  	s16 =	simm.s32 @!p0 $0x0;
	p0 =	seq.s32 s15, $0x14;
	p1 =	seq.s32 s18, $0x1  }
0x2d: {  	s18 =	simm.s32 $0x3E80;
	[sflag:s11] =	ssyncadd.s32 $0xFFFFC180;
	s17 =	simm.s32 @p0 $0x0  }
0x2e: {  	s18 =	simm.s32 @!p1 $0x0;
	s23 =	sadd.s32 $0x0, s16;
	s17 =	sadd.s32 s3, s17  }
0x2f: {  	[tilespmem:s18], [sflag:$0x1] =	stream.linear.gather [hbm4b:s17+s14], $0x3E80, $0x38;
	[tilespmem:$0x11A00] =	vst v63  }
0x30: {  	s24 =	sand.u32 $0x60, s14;
	s17 =	sand.u32 $0x7F80, s23  }
0x31: {  	s17 =	sor.u32 s24, s17  }
0x32: {  	v4 =	vld [tilespmem:s17+$0x10];
	_ =	sdelay $0x2  }
0x33: {  	v5 =	vld [tilespmem:s17+$0x0];
	_ =	sdelay $0x1  }
0x34: {  	v6 =	vperm.xlane v4, v0  }
0x35: {  	s25 =	simm.s32 $0x20;
	s26 =	sadd.s32 $0x20, s16  }
0x36: {  	s18 =	sand.u32 $0x7F80, s26;
	s17 =	sand.u32 $0x60, s25;
	v7 =	vshrl.u32 v6, $0x10  }
0x37: {  	s17 =	sor.u32 s17, s18;
	v8 =	vperm.xlane v5, v0;
	v7 =	vadd.s32 v2, v7  }
0x38: {  	v9 =	vld [tilespmem:s17+$0x10]  }
0x39: {  	v12 =	vld [tilespmem:s17+$0x0];
	v10 =	vshrl.u32 v8, $0x10  }
0x3a: {  	v10 =	vadd.s32 v2, v10  }
0x3b: {  	v4 =	vperm.xlane v4, v3;
	v6 =	vand.u32 $0xFFFF, v6  }
0x3c: {  	v6 =	vadd.s32 v2, v6;
	v7 =	vld.idx.msk [tilespmem:v7+s9+$0x0], $0xffff  }
0x3d: {  	s28 =	simm.s32 $0x40;
	s29 =	sadd.s32 $0x40, s16;
	v11 =	vshrl.u32 v4, $0x10;
	v13 =	vperm.xlane v9, v0  }
0x3e: {  	s18 =	sand.u32 $0x7F80, s29;
	s17 =	sand.u32 $0x60, s28;
	v8 =	vand.u32 $0xFFFF, v8;
	v14 =	vperm.xlane v12, v0;
	v11 =	vadd.s32 v2, v11  }
0x3f: {  	s17 =	sor.u32 s17, s18;
	v5 =	vperm.xlane v5, v3;
	v8 =	vadd.s32 v2, v8;
	v15 =	vshrl.u32 v13, $0x10;
	v10 =	vld.idx.msk [tilespmem:v10+s9+$0x0], $0xffff  }
0x40: {  	v17 =	vld [tilespmem:s17+$0x10];
	v16 =	vshrl.u32 v14, $0x10;
	v15 =	vadd.s32 v2, v15  }
0x41: {  	v18 =	vshrl.u32 v5, $0x10;
	v16 =	vadd.s32 v2, v16;
	[tilespmem:v6+s12+$0x0] =	vst.idx.add.f32.msk $0xffff, v7  }
0x42: {  	v4 =	vand.u32 $0xFFFF, v4;
	v6 =	vadd.s32 v2, v18;
	v18 =	vld [tilespmem:s17+$0x0]  }
0x43: {  	v19 =	vperm.xlane v9, v3;
	v4 =	vadd.s32 v2, v4;
	v7 =	vld.idx.msk [tilespmem:v11+s9+$0x0], $0xffff  }
0x44: {  	[tilespmem:v8+s12+$0x0] =	vst.idx.add.f32.msk $0xffff, v10;
	v8 =	vand.u32 $0xFFFF, v13  }
0x45: {  	v5 =	vand.u32 $0xFFFF, v5;
	v9 =	vld.idx.msk [tilespmem:v15+s9+$0x0], $0xffff;
	v10 =	vshrl.u32 v19, $0x10;
	v8 =	vadd.s32 v2, v8  }
0x46: {  	s30 =	simm.s32 $0x60;
	s31 =	sadd.s32 $0x60, s16;
	v20 =	vperm.xlane v17, v0;
	v15 =	vld.idx.msk [tilespmem:v16+s9+$0x0], $0xffff;
	v13 =	vand.u32 $0xFFFF, v14;
	v10 =	vadd.s32 v2, v10  }
0x47: {  	s18 =	sand.u32 $0x7F80, s31;
	v12 =	vperm.xlane v12, v3;
	s17 =	sand.u32 $0x60, s30;
	v21 =	vadd.s32 v2, v13;
	v11 =	vld.idx.msk [tilespmem:v6+s9+$0x0], $0xffff;
	v14 =	vperm.xlane v18, v0  }
0x48: {  	s17 =	sor.u32 s17, s18;
	v6 =	vadd.s32 v2, v5;
	v18 =	vperm.xlane v18, v3;
	[tilespmem:v4+s12+$0x0] =	vst.idx.add.f32.msk $0xffff, v7;
	v4 =	vshrl.u32 v20, $0x10  }
0x49: {  	v7 =	vld [tilespmem:s17+$0x10];
	v5 =	vshrl.u32 v14, $0x10;
	v22 =	vadd.s32 v2, v4;
	v4 =	vshrl.u32 v12, $0x10  }
0x4a: {  	[tilespmem:v8+s12+$0x0] =	vst.idx.add.f32.msk $0xffff, v9;
	v8 =	vshrl.u32 v18, $0x10;
	v23 =	vadd.s32 v2, v5;
	v9 =	vadd.s32 v2, v4  }
0x4b: {  	v16 =	vld.idx.msk [tilespmem:v10+s9+$0x0], $0xffff;
	v4 =	vand.u32 $0xFFFF, v12;
	v5 =	vand.u32 $0xFFFF, v14;
	v12 =	vand.u32 $0xFFFF, v19  }
0x4c: {  	v14 =	vld [tilespmem:s17+$0x0];
	v13 =	vadd.s32 v2, v8;
	v8 =	vand.u32 $0xFFFF, v18;
	v18 =	vadd.s32 v2, v12  }
0x4d: {  	[tilespmem:v21+s12+$0x0] =	vst.idx.add.f32.msk $0xffff, v15;
	v10 =	vperm.xlane v17, v3;
	v17 =	vand.u32 $0xFFFF, v20  }
0x4e: {  	v17 =	vadd.s32 v2, v17;
	v4 =	vadd.s32 v2, v4;
	v15 =	vld.idx.msk [tilespmem:v22+s9+$0x0], $0xffff  }
0x4f: {  	s18 =	simm.s32 $0x80;
	s17 =	simm.s32 $0x6;
	v5 =	vadd.s32 v2, v5;
	v8 =	vadd.s32 v2, v8;
	v19 =	vshrl.u32 v10, $0x10;
	v12 =	vld.idx.msk [tilespmem:v23+s9+$0x0], $0xffff  }
.LBB2_8:
0x50: {  	s19 =	sadd.s32 s18, s16;
	v20 =	vperm.xlane v7, v0;
	v19 =	vadd.s32 v2, v19;
	v21 =	vld.idx.msk [tilespmem:v9+s9+$0x0], $0xffff;
	v9 =	vmov v13  }
0x51: {  	s20 =	sand.u32 $0x60, s18;
	s19 =	sand.u32 $0x7F80, s19;
	v13 =	vperm.xlane v14, v0;
	v14 =	vperm.xlane v14, v3;
	[tilespmem:v18+s12+$0x0] =	vst.idx.add.f32.msk $0xffff, v16  }
0x52: {  	s17 =	sadd.s32 $0x2, s17;
	s19 =	sor.u32 s20, s19;
	v16 =	vshrl.u32 v20, $0x10;
	[tilespmem:v6+s12+$0x0] =	vst.idx.add.f32.msk $0xffff, v11;
	v6 =	vmov v4;
	v4 =	vmov v8  }
0x53: {  	p1 =	slt.u32 s17, $0x3E6;
	v22 =	vld [tilespmem:s19+$0x10];
	v8 =	vshrl.u32 v13, $0x10;
	v11 =	vand.u32 $0xFFFF, v13;
	v23 =	vadd.s32 v2, v16  }
0x54: {  	v24 =	vadd.s32 v2, v8;
	v25 =	vadd.s32 v2, v11;
	v8 =	vshrl.u32 v14, $0x10;
	[tilespmem:v17+s12+$0x0] =	vst.idx.add.f32.msk $0xffff, v15  }
.Ltmp2:
0x55: {  	v10 =	vand.u32 $0xFFFF, v10;
	v13 =	vadd.s32 v2, v8;
	v8 =	vand.u32 $0xFFFF, v14;
	v16 =	vld.idx.msk [tilespmem:v19+s9+$0x0], $0xffff;
	(pc) =	sbr.rel @p1 .LBB2_8-.Ltmp2, $4  }
0x56: {  	v18 =	vadd.s32 v2, v10;
	v14 =	vld [tilespmem:s19+$0x0];
	v8 =	vadd.s32 v2, v8;
	v11 =	vmov v21  }
0x57: {  	v10 =	vperm.xlane v7, v3;
	[tilespmem:v5+s12+$0x0] =	vst.idx.add.f32.msk $0xffff, v12;
	v5 =	vmov v25  }
0x58: {  	v17 =	vand.u32 $0xFFFF, v20;
	v15 =	vld.idx.msk [tilespmem:v23+s9+$0x0], $0xffff;
	v7 =	vmov v22  }
0x59: {  	s18 =	sadd.s32 $0x20, s18;
	v17 =	vadd.s32 v2, v17;
	v19 =	vshrl.u32 v10, $0x10;
	v12 =	vld.idx.msk [tilespmem:v24+s9+$0x0], $0xffff  }
0x5a: {  	v20 =	vperm.xlane v7, v0;
	_ =	sdelay $0x1  }
0x5b: {  	v21 =	vperm.xlane v14, v0;
	v22 =	vshrl.u32 v20, $0x10  }
0x5c: {  	v22 =	vadd.s32 v2, v22  }
0x5d: {  	[tilespmem:v18+s12+$0x0] =	vst.idx.add.f32.msk $0xffff, v16;
	v54 =	vshrl.u32 v21, $0x10  }
0x5e: {  	v9 =	vld.idx.msk [tilespmem:v9+s9+$0x0], $0xffff;
	v18 =	vadd.s32 v2, v54  }
0x5f: {  	v53 =	vadd.s32 v2, v19;
	[tilespmem:v6+s12+$0x0] =	vst.idx.add.f32.msk $0xffff, v11;
	v55 =	vperm.xlane v7, v3  }
0x60: {  	v56 =	vand.u32 $0xFFFF, v20;
	[tilespmem:v17+s12+$0x0] =	vst.idx.add.f32.msk $0xffff, v15  }
0x61: {  	v57 =	vperm.xlane v14, v3;
	v59 =	vshrl.u32 v55, $0x10;
	v7 =	vadd.s32 v2, v56;
	v58 =	vld.idx.msk [tilespmem:v22+s9+$0x0], $0xffff  }
0x62: {  	v60 =	vand.u32 $0xFFFF, v21;
	v15 =	vadd.s32 v2, v59;
	[tilespmem:v5+s12+$0x0] =	vst.idx.add.f32.msk $0xffff, v12  }
0x63: {  	v61 =	vshrl.u32 v57, $0x10;
	v17 =	vadd.s32 v2, v60;
	v18 =	vld.idx.msk [tilespmem:v18+s9+$0x0], $0xffff  }
0x64: {  	v19 =	vadd.s32 v2, v61;
	v16 =	vld.idx.msk [tilespmem:v53+s9+$0x0], $0xffff  }
0x65: {  	v10 =	vand.u32 $0xFFFF, v10;
	v62 =	vld.idx.msk [tilespmem:v13+s9+$0x0], $0xffff  }
0x66: {  	v5 =	vadd.s32 v2, v10;
	[tilespmem:v7+s12+$0x0] =	vst.idx.add.f32.msk $0xffff, v58  }
0x67: {  	v6 =	vand.u32 $0xFFFF, v55;
	v7 =	vld.idx.msk [tilespmem:v15+s9+$0x0], $0xffff  }
0x68: {  	v6 =	vadd.s32 v2, v6;
	v11 =	vand.u32 $0xFFFF, v57;
	[tilespmem:v17+s12+$0x0] =	vst.idx.add.f32.msk $0xffff, v18  }
0x69: {  	v11 =	vadd.s32 v2, v11;
	v63 =	vld.idx.msk [tilespmem:v19+s9+$0x0], $0xffff  }
0x6a: {  	[tilespmem:v4+s12+$0x0] =	vst.idx.add.f32.msk $0xffff, v9  }
0x6b: {  	[tilespmem:v5+s12+$0x0] =	vst.idx.add.f32.msk $0xffff, v16  }
0x6c: {  	[tilespmem:v8+s12+$0x0] =	vst.idx.add.f32.msk $0xffff, v62  }
0x6d: {  	[tilespmem:v6+s12+$0x0] =	vst.idx.add.f32.msk $0xffff, v7  }
0x6e: {  	[tilespmem:v11+s12+$0x0] =	vst.idx.add.f32.msk $0xffff, v63  }
.Ltmp3:
0x6f: {  	(pc) =	sbr.rel @!p0 .LBB2_7-.Ltmp3, $1  }
0x70: {  	_ =	sdelay $0x3  }
0x71: {  	_ =	swait.ge [sflag:s11], $0x3E80;
	s2 =	sadd.s32 $0x1, s2  }
0x72: {  	[sflag:s11] =	ssyncset.done $0x0;
	p0 =	sne.s32 s2, s6  }
.Ltmp4:
0x73: {  	[sflag:s11] =	ssyncadd.s32 $0xFFFFC180;
	(pc) =	sbr.rel @p0 .LBB2_1-.Ltmp4, $4  }
0x74: {  	[hbm4b:s5+s7] =	stream.strided.scatter [tilespmem:s12], [sflag:$0x3], $0x4E80, s8, s7, $0x38;
	[tilespmem:$0x11A00] =	vst v63  }
0x75: {  	_ =	swait.ge [sflag:s13], $0x4E80  }
0x76: {  	[sflag:s13] =	ssyncset.done $0x0  }
0x77: {  	[sflag:s13] =	ssyncadd.s32 $0xFFFFB180  }
0x78: {  	_ =	sfence.sel $0x180000  }
0x79: {  	[bflag:$0x0] =	sbarrier.arrive $0xFFFF  }
0x7a: {  	p0 =	sne.s32 s1, $0x0;
	_ =	strace $0x9000004A  }
0x7b: {  	s0 =	sadd.s32 @!p0 $0x100000, s0;
	[bflag:$0x2] =	sbarrier.arrive $0xFFFF  }
0x7c: {  	[sflag:s0] =	ssyncadd.tile.s32 @!p0 $0x1;
	_ =	shalt  }
.Lfunc_end2:
_tile_overlayer_lowered:
.L_overlay_start_2:
0x7d: {  	(tag) =	ssettag $0x2  }
0x7e: {  	s0 =	rddreg [dreg:$0x0];
	s2 =	stileid.u32  }
0x7f: {  	s1 =	rddreg [dreg:$0x1];
	p0 =	sne.s32 s2, $0x0  }
0x80: {  	s3 =	rddreg [dreg:$0x2];
	[bflag:$0x3] =	sbarrier.arrive $0xFFFF;
	s2 =	simm.s32 @!p0 $0x1C03  }
0x81: {  	[timem:s3], [sflag:s2] =	dma.local @!p0 [hbm:s0], s1  }
0x82: {  	s0 =	simm.s32 @!p0 $0x3  }
0x83: {  	_ =	swait.ge @!p0 [sflag:s0], s1  }
0x84: {  	s1 =	ssub.s32 @!p0 $0x0, s1;
	[sflag:s0] =	ssyncset.done @!p0 $0x0  }
0x85: {  	[sflag:s0] =	ssyncadd.s32 @!p0 s1  }
0x86: {  	[bflag:$0x3] =	sbarrier.arrive $0xFFFF  }
0x87: {  	_ =	shalt  }

// kernel: kernel.7.cloned.1.call-start
scs
__scs_entry_jumppad:
0x0: {  	(pc) =	sbr.rel $0x88, $3  }
0x1: {  	(tag) =	ssettag $0x0;
	lr =	simm.s32 $0x1  }
0x2: {  	[smem:$0x3F9D] =	sst lr;
	_ =	strace $0xD0000000  }
0x3: {  	_ = 	snop  }
0x4: {  	_ = 	snop  }
0x5: {  	_ = 	snop  }
0x6: {  	_ = 	snop  }
0x7: {  	_ = 	snop  }
__scs_overlays_trampoline_lowered:
0x8: {  	[smem:$0x3FAC] =	sst s0  }
0x9: {  	[smem:$0x3FAD] =	sst s1  }
0xa: {  	[smem:$0x3FAE] =	sst s2  }
0xb: {  	[smem:$0x3FAF] =	sst s3  }
0xc: {  	[smem:$0x3FB0] =	sst s4  }
0xd: {  	[smem:$0x3FB1] =	sst s5  }
0xe: {  	[smem:$0x3FB2] =	sst s6  }
0xf: {  	[smem:$0x3FB3] =	sst s7  }
0x10: {  	[smem:$0x3FB4] =	sst s8  }
0x11: {  	[smem:$0x3FB5] =	sst s9;
	s0 =	simm.s32 @!p0 $0x0  }
0x12: {  	s1 =	sld [smem:$0x3F9B];
	s0 =	simm.s32 @p0 $0x1  }
0x13: {  	[smem:$0x3FB6] =	sst s0;
	s0 =	simm.s32 @!p1 $0x0  }
0x14: {  	s2 =	sld [smem:$0x3F9A];
	s0 =	simm.s32 @p1 $0x1  }
0x15: {  	[smem:$0x3FB7] =	sst s0;
	s0 =	simm.s32 @!p2 $0x0  }
0x16: {  	s3 =	sld [smem:$0x3FDB];
	s0 =	simm.s32 @p2 $0x1  }
0x17: {  	s4 =	simm.s32 $0x1BF5;
	[smem:$0x3FB9] =	sst s0  }
0x18: {  	s0 =	sld [smem:$0x3F9C];
	_ =	swait.ge [sflag:s4], $0x0  }
0x19: {  	s7 =	sld [smem:$0x3F9D]  }
0x1a: {  	s8 =	sadd.s32 $0xFFFFE003, lr  }
0x1b: {  	s9 =	sadd.s32 $0xFFFFFEF7, lr;
	s5 =	simm.s32 $0xFFFFFFFF;
	p2 =	slt.u32 s8, $0xFFFFF086  }
0x1c: {  	p1 =	slt.u32 s9, $0xF7A;
	s5 =	simm.s32 @!p2 $0x0  }
0x1d: {  	s5 =	simm.s32 @p1 $0x1;
	p0 =	seq.s32 s7, s2  }
0x1e: {  	s7 =	smul.u32 @!p0 $0xF7A, s2;
	p2 =	seq.s32 @!p0 s5, $0x0  }
0x1f: {  	s9 =	smul.u32 $0xF7A, s1;
	s8 =	simm.s32 @!p0 $0x1BF5;
	p2 =	por !p2, p0  }
0x20: {  	[sflag:s8] =	ssyncset.s32 @!p0 $0xFFFFF086;
	s6 =	sadd.s32 @!p0 s3, s7;
	s7 =	simm.s32 @!p0 $0x108  }
0x21: {  	s3 =	sadd.s32 s3, s9;
	s6 =	sadd.s32 @!p0 $0x88, s6;
	s7 =	simm.s32 @p2 $0x1082  }
0x22: {  	[simem:s7], [sflag:s8] =	dma.local @!p0 [hbm:s6], $0xF7A  }
0x23: {  	s9 =	sor.u32 $0xD0000000, s2;
	s6 =	simm.s32 $0x108;
	_ =	swait.ge @!p0 [sflag:s8], $0x0  }
0x24: {  	s3 =	sadd.s32 $0x88, s3;
	s6 =	simm.s32 @!p1 $0x1082;
	[sflag:s4] =	ssyncset.s32 $0xFFFFF086  }
0x25: {  	[simem:s6], [sflag:s4] =	dma.local [hbm:s3], $0xF7A  }
0x26: {  	[smem:$0x3F9D] =	sst s1;
	(tag) =	ssettag s2;
	_ =	strace s9  }
0x27: {  	s1 =	sld [smem:$0x3FAD]  }
0x28: {  	s2 =	sld [smem:$0x3FAE]  }
0x29: {  	s4 =	sld [smem:$0x3FB0]  }
0x2a: {  	p0 =	seq.s32 s5, $0x0;
	s5 =	sld [smem:$0x3FB1]  }
0x2b: {  	s6 =	sld [smem:$0x3FB2]  }
0x2c: {  	s7 =	sld [smem:$0x3FB3]  }
0x2d: {  	s3 =	simm.s32 $0x108;
	s8 =	sld [smem:$0x3FB4]  }
0x2e: {  	s3 =	simm.s32 @!p0 $0x1082;
	s9 =	sld [smem:$0x3FB5]  }
0x2f: {  	lr =	sadd.s32 s0, s3;
	s0 =	sld [smem:$0x3FAC]  }
0x30: {  	s3 =	sld [smem:$0x3FAF]  }
0x31: {  	[smem:$0x3FB8] =	sst s10  }
0x32: {  	s10 =	sld [smem:$0x3FB6];
	_ =	sdelay $0x3  }
0x33: {  	p0 =	seq.s32 s10, $0x1;
	s10 =	sld [smem:$0x3FB8];
	_ =	sdelay $0x3  }
0x34: {  	[smem:$0x3FB8] =	sst s10  }
0x35: {  	s10 =	sld [smem:$0x3FB7];
	_ =	sdelay $0x3  }
0x36: {  	p1 =	seq.s32 s10, $0x1;
	s10 =	sld [smem:$0x3FB8];
	_ =	sdelay $0x3  }
0x37: {  	[smem:$0x3FB8] =	sst s10  }
0x38: {  	s10 =	sld [smem:$0x3FB9]  }
0x39: {  	_ = 	snop;
	(pc) =	sbr.ind lr, $3  }
0x3a: {  	_ = 	snop  }
0x3b: {  	_ = 	snop  }
0x3c: {  	p2 =	seq.s32 s10, $0x1;
	s10 =	sld [smem:$0x3FB8]  }
0x3d: {  	_ =	shalt  }
0x3e: {  	_ =	shalt  }
0x3f: {  	_ =	shalt  }
0x40: {  	_ =	shalt  }
0x41: {  	_ =	shalt  }
0x42: {  	_ =	shalt  }
0x43: {  	_ =	shalt  }
0x44: {  	_ =	shalt  }
0x45: {  	_ =	shalt  }
0x46: {  	_ =	shalt  }
0x47: {  	_ =	shalt  }
0x48: {  	_ =	shalt  }
0x49: {  	_ =	shalt  }
0x4a: {  	_ =	shalt  }
0x4b: {  	_ =	shalt  }
0x4c: {  	_ =	shalt  }
0x4d: {  	_ =	shalt  }
0x4e: {  	_ =	shalt  }
0x4f: {  	_ =	shalt  }
0x50: {  	_ =	shalt  }
0x51: {  	_ =	shalt  }
0x52: {  	_ =	shalt  }
0x53: {  	_ =	shalt  }
0x54: {  	_ =	shalt  }
0x55: {  	_ =	shalt  }
0x56: {  	_ =	shalt  }
0x57: {  	_ =	shalt  }
0x58: {  	_ =	shalt  }
0x59: {  	_ =	shalt  }
0x5a: {  	_ =	shalt  }
0x5b: {  	_ =	shalt  }
0x5c: {  	_ =	shalt  }
0x5d: {  	_ =	shalt  }
0x5e: {  	_ =	shalt  }
0x5f: {  	_ =	shalt  }
0x60: {  	_ =	shalt  }
0x61: {  	_ =	shalt  }
0x62: {  	_ =	shalt  }
0x63: {  	_ =	shalt  }
0x64: {  	_ =	shalt  }
0x65: {  	_ =	shalt  }
0x66: {  	_ =	shalt  }
0x67: {  	_ =	shalt  }
0x68: {  	_ =	shalt  }
0x69: {  	_ =	shalt  }
0x6a: {  	_ =	shalt  }
0x6b: {  	_ =	shalt  }
0x6c: {  	_ =	shalt  }
0x6d: {  	_ =	shalt  }
0x6e: {  	_ =	shalt  }
0x6f: {  	_ =	shalt  }
0x70: {  	_ =	shalt  }
0x71: {  	_ =	shalt  }
0x72: {  	_ =	shalt  }
0x73: {  	_ =	shalt  }
0x74: {  	_ =	shalt  }
0x75: {  	_ =	shalt  }
0x76: {  	_ =	shalt  }
0x77: {  	_ =	shalt  }
0x78: {  	_ =	shalt  }
0x79: {  	_ =	shalt  }
0x7a: {  	_ =	shalt  }
0x7b: {  	_ =	shalt  }
0x7c: {  	_ =	shalt  }
0x7d: {  	_ =	shalt  }
0x7e: {  	_ =	shalt  }
0x7f: {  	_ =	shalt  }
0x80: {  	_ =	shalt  }
0x81: {  	_ =	shalt  }
0x82: {  	_ =	shalt  }
0x83: {  	_ =	shalt  }
0x84: {  	_ =	shalt  }
0x85: {  	_ =	shalt  }
0x86: {  	_ =	shalt  }
0x87: {  	_ =	shalt  }
.Lfunc_end0:
.L_simem_size_0:
called_computation_lowered:
.L_overlay_start_0:
0x88: {  	s2 =	sld [smem:$0x3FD9]  }
0x89: {  	s3 =	sld [smem:$0x3FFE];
	_ =	sdelay $0x1  }
0x8a: {  	s1 =	srdreg.scid  }
0x8b: {  	s0 =	sand.u32 $0x1, s1  }
0x8c: {  	s17 =	sshll.u32 s0, $0xA;
	s2 =	sadd.s32 s3, s2  }
0x8d: {  	s2 =	sadd.s32 s2, s17  }
0x8e: {  	[smem:$0x3FC4] =	sst s2  }
0x8f: {  	_ = 	snop  }
0x90: {  	s2 =	sld [smem:$0x3FD0];
	(tm) =	ssettm $0x1  }
0x91: {  	s18 =	sld [smem:$0x3FFB];
	_ =	sdelay $0x3  }
0x92: {  	_ =	strace s18  }
0x93: {  	s3 =	sld [smem:$0x3FFC];
	_ =	sdelay $0x3  }
0x94: {  	_ =	strace s3  }
0x95: {  	s3 =	sld [smem:$0x3FFD];
	_ =	sdelay $0x3  }
0x96: {  	_ =	strace s3  }
0x97: {  	_ =	strace $0x8FFFFFFF  }
0x98: {  	s19 =	sld [smem:$0x3FDB];
	_ =	sdelay $0x1  }
0x99: {  	s4 =	simm.s32 $_scs_section_size  }
0x9a: {  	s5 =	simm.s32 $_size__tile_overlayer_lowered;
	s6 =	simm.s32 $_tile_overlayer_lowered  }
0x9b: {  	s22 =	simm.s32 $0x1BFF;
	s21 =	sshll.u32 s6, $0x1;
	s3 =	sadd.s32 s4, s19  }
0x9c: {  	s7 =	simm.s32 $0x0;
	s20 =	sshll.u32 s5, $0x1;
	s5 =	sadd.s32 s21, s3  }
0x9d: {  	[timem:s7], [sflag:s22] =	dma.local [hbm:s5], s20  }
0x9e: {  	_ =	swait.ge [sflag:s22], s20  }
0x9f: {  	s4 =	ssub.s32 $0x0, s20;
	[sflag:s22] =	ssyncset.done $0x0  }
0xa0: {  	[sflag:s22] =	ssyncadd.s32 s4;
	_ =	sdelay $0x1  }
0xa1: {  	s23 =	simm.s32 $0x1B8B  }
0xa2: {  	_ =	swait.ge [sflag:s23], $0x1  }
0xa3: {  	[sflag:s23] =	ssyncset.done $0x0  }
0xa4: {  	s25 =	simm.s32 $0x1B8E;
	s24 =	sld [smem:$0x3FFE];
	[sflag:s23] =	ssyncadd.s32 $0xFFFFFFFF  }
0xa5: {  	s26 =	simm.s32 $execute0_lowered;
	[smem:$0x3FD2] =	sst s25  }
0xa6: {  	s5 =	sshll.u32 s26, $0x1;
	_ =	strace $0x80000046;
	[dreg:$0x1] =	wrdreg $0xFFFFFFFF  }
0xa7: {  	s28 =	simm.s32 $_size_execute0_lowered;
	s3 =	sadd.s32 s3, s5;
	[dreg:$0x0] =	wrdreg $0x0  }
0xa8: {  	s5 =	sshll.u32 s28, $0x1;
	[dreg:$0x2] =	wrdreg s3  }
0xa9: {  	[dreg:$0x3] =	wrdreg s5  }
0xaa: {  	[dreg:$0x4] =	wrdreg $0xC0  }
0xab: {  	_ =	task [dreg:s7], $0x5FFFF  }
0xac: {  	[dreg:$0x1] =	wrdreg $0xFFFFFFFF  }
0xad: {  	[dreg:$0x0] =	wrdreg $0x60  }
0xae: {  	[dreg:$0x2] =	wrdreg s24  }
0xaf: {  	[dreg:$0x3] =	wrdreg s2  }
0xb0: {  	[dreg:$0x4] =	wrdreg $0x9  }
0xb1: {  	_ =	task.clear_ibuf [dreg:s7], $0x5FFFF;
	_ =	strace $0x90000046  }
0xb2: {  	s29 =	simm.s32 $0x9;
	_ =	strace $0x80000048  }
0xb3: {  	_ =	swait.ge [sflag:s29], $0x1  }
0xb4: {  	[sflag:s29] =	ssyncadd.s32 $0xFFFFFFFF  }
0xb5: {  	_ =	strace $0x90000048  }
0xb6: {  	_ =	sfence  }
0xb7: {  	s30 =	sld [smem:$0x0];
	_ =	sdelay $0x2  }
0xb8: {  	s31 =	sshll.u32 s1, $0xD;
	s1 =	sshrl.u32 s1, $0x2  }
0xb9: {  	s3 =	sand.u32 $0x4000, s31;
	s1 =	sadd.s32 s1, s30  }
0xba: {  	s0 =	sor.u32 s3, s0;
	s1 =	sshll.u32 s1, $0x11  }
0xbb: {  	s0 =	sor.u32 s1, s0  }
0xbc: {  	s0 =	sadd.s32 $0x8F2B, s0  }
0xbd: {  	[sflag:s0] =	ssyncadd.remote.s32 $0x1  }
0xbe: {  	_ =	sfence.sel $0xFFFF  }
0xbf: {  	[dreg:$0x0] =	wrdreg $0xFFFFFFFF;
	(pc) =	sbr.abs _section_cstart, $3  }
0xc0: {  	[dreg:$0x1] =	wrdreg $0xFFFFFFFF  }
0xc1: {  	_ =	task.clear_ibuf [dreg:s7], $0x2FFFF;
	_ =	strace $0x9FFFFFFF  }
0xc2: {  	(tm) =	ssettm $0x7FFFFFFF  }
0xc3: {  	_ =	shalt  }
tec
execute0_lowered:
.L_overlay_start_1:
0x0: {  	(tag) =	ssettag $0x1  }
0x1: {  	s4 =	rddreg [dreg:$0x0]  }
0x2: {  	s5 =	rddreg [dreg:$0x1]  }
0x3: {  	s0 =	rddreg [dreg:$0x2];
	s2 =	simm.s32 $0x0;
	s3 =	srdreg.scid  }
0x4: {  	s1 =	stileid.u32;
	s10 =	simm.s32 $0x2;
	s11 =	simm.s32 $0x1  }
0x5: {  	s12 =	simm.s32 $0x11980;
	s13 =	simm.s32 $0x3;
	s3 =	sand.u32 $0x1, s3  }
0x6: {  	s6 =	sshrl.u32 s1, $0x2;
	s7 =	sshll.u32 s1, $0x8;
	[smem:$0x7FF] =	sst s2  }
0x7: {  	s6 =	smul.u32 $0x4E400, s6;
	s8 =	sshll.u32 s3, $0x7;
	s7 =	sand.u32 $0x300, s7  }
0x8: {  	_ =	strace $0x80000047;
	s30 =	ssub.s32 $0x2, s3;
	s7 =	sor.u32 s8, s7  }
0x9: {  	s3 =	sadd.s32 $0x800, s4;
	s31 =	sshrl.u32 s30, $0x1;
	s6 =	sor.u32 s6, s7  }
0xa: {  	v2 =	vlaneseq.u32;
	s8 =	simm.s32 $0x400;
	s7 =	ssub.s32 s30, s31;
	s6 =	sshrl.u32 s6, $0x3  }
0xb: {  	v0 =	vimm.f32 $0.0e+00;
	v1 =	vshrl.u32 v2, $0x2;
	v2 =	vand.u32 $0x3, v2;
	s9 =	sadd.s32 s6, s4;
	s4 =	sadd.s32 s5, s6;
	s6 =	smax.u32 s7, $0x1  }
0xc: {  	v3 =	vor.u32 $0x4, v1;
	v4 =	vor.u32 $0x8, v1;
	v5 =	vor.u32 $0xC, v1;
	s7 =	simm.s32 $0x80;
	s5 =	sadd.s32 $0x14400, s9;
	s9 =	simm.s32 $0x7D00  }
.LBB2_1:
0xd: {  	[tilespmem:s9], [sflag:$0x2] =	stream.strided.gather [hbm4b:s4+s7], $0x9C80, s8, s7, $0x38;
	[tilespmem:$0x1B600] =	vst v63  }
0xe: {  	s14 =	simm.s32 $0x119C0  }
0xf: {  	[tilespmem:s14+$0xFFFFFFC0] =	vst v0  }
0x10: {  	[tilespmem:s14+$0x30] =	vst v0  }
0x11: {  	[tilespmem:s14+$0x20] =	vst v0  }
0x12: {  	[tilespmem:s14+$0x10] =	vst v0  }
0x13: {  	[tilespmem:s14+$0x0] =	vst v0  }
0x14: {  	[tilespmem:s14+$0xFFFFFFF0] =	vst v0  }
0x15: {  	s15 =	simm.s32 $0x0;
	[tilespmem:s14+$0xFFFFFFE0] =	vst v0  }
.LBB2_2:
0x16: {  	s15 =	sadd.s32 $0x8, s15;
	[tilespmem:s14+$0xFFFFFFD0] =	vst v0;
	s14 =	sadd.s32 $0x80, s14  }
0x17: {  	[tilespmem:s14+$0xFFFFFFC0] =	vst v0;
	p0 =	slt.u32 s15, $0x9B8  }
0x18: {  	[tilespmem:s14+$0x30] =	vst v0  }
.Ltmp0:
0x19: {  	[tilespmem:s14+$0x20] =	vst v0;
	(pc) =	sbr.rel @p0 .LBB2_2-.Ltmp0, $4  }
0x1a: {  	[tilespmem:s14+$0x10] =	vst v0  }
0x1b: {  	[tilespmem:s14+$0x0] =	vst v0  }
0x1c: {  	[tilespmem:s14+$0xFFFFFFF0] =	vst v0  }
0x1d: {  	[tilespmem:s14+$0xFFFFFFE0] =	vst v0  }
0x1e: {  	[tilespmem:s14+$0xFFFFFFD0] =	vst v0;
	s14 =	simm.s32 $0x0  }
.LBB2_4:
0x1f: {  	p0 =	sne.s32 s14, $0xC0  }
.Ltmp1:
0x20: {  	_ = 	snop;
	(pc) =	sbr.rel @p0 .LBB2_4-.Ltmp1, $3  }
0x21: {  	_ =	sdelay $0x1  }
0x22: {  	s15 =	sshra.s32 s14, $0x2  }
0x23: {  	s14 =	sadd.s32 $0x40, s14;
	[tilespmem:s15+$0x1B580] =	vst v0  }
0x24: {  	s14 =	simm.s32 $0x0  }
0x25: {  	[tilespmem:s14], [sflag:$0x1] =	stream.linear.gather [hbm4b:s3+s14], $0x3E80, $0x38;
	[tilespmem:$0x1B600] =	vst v63  }
0x26: {  	_ =	swait.ge [sflag:s10], $0x9C80  }
0x27: {  	[sflag:s10] =	ssyncset.done $0x0  }
0x28: {  	s15 =	simm.s32 $0x0;
	[sflag:s10] =	ssyncadd.s32 $0xFFFF6380  }
.LBB2_7:
0x29: {  	s16 =	sand.u32 $0x1, s15;
	s15 =	sadd.s32 $0x1, s15  }
0x2a: {  	_ =	swait.ge [sflag:s11], $0x3E80;
	p0 =	seq.s32 s16, $0x1;
	s16 =	simm.s32 $0x3E80  }
0x2b: {  	s17 =	smul.u32 $0x7D0, s15;
	[sflag:s11] =	ssyncset.done $0x0;
	s18 =	sand.u32 $0x1, s15  }
0x2c: {  	s16 =	simm.s32 @!p0 $0x0;
	p0 =	seq.s32 s15, $0x14;
	p1 =	seq.s32 s18, $0x1  }
0x2d: {  	s18 =	simm.s32 $0x3E80;
	[sflag:s11] =	ssyncadd.s32 $0xFFFFC180;
	s17 =	simm.s32 @p0 $0x0  }
0x2e: {  	s18 =	simm.s32 @!p1 $0x0;
	s25 =	sadd.s32 $0x0, s16;
	s17 =	sadd.s32 s3, s17  }
0x2f: {  	[tilespmem:s18], [sflag:$0x1] =	stream.linear.gather [hbm4b:s17+s14], $0x3E80, $0x38;
	[tilespmem:$0x1B600] =	vst v63  }
0x30: {  	s26 =	sand.u32 $0x60, s14;
	s17 =	sand.u32 $0x7F80, s25  }
0x31: {  	s17 =	sor.u32 s26, s17  }
0x32: {  	v7 =	vld [tilespmem:s17+$0x10]  }
0x33: {  	v6 =	vld [tilespmem:s17+$0x0];
	_ =	sdelay $0x3  }
0x34: {  	v9 =	vperm.xlane v7, v1  }
0x35: {  	v8 =	vperm.xlane v6, v1  }
0x36: {  	v11 =	vshrl.u32 v9, $0x10  }
0x37: {  	v10 =	vshrl.u32 v8, $0x10;
	v11 =	vadd.s32 v2, v11  }
0x38: {  	s28 =	simm.s32 $0x20;
	s29 =	sadd.s32 $0x20, s16;
	v10 =	vadd.s32 v2, v10  }
0x39: {  	s18 =	sand.u32 $0x7F80, s29;
	s17 =	sand.u32 $0x60, s28  }
0x3a: {  	s17 =	sor.u32 s17, s18  }
0x3b: {  	v15 =	vld [tilespmem:s17+$0x0];
	v12 =	vperm.xlane v7, v3;
	v9 =	vand.u32 $0xFFFF, v9  }
0x3c: {  	v13 =	vperm.xlane v6, v3;
	v8 =	vand.u32 $0xFFFF, v8;
	v9 =	vadd.s32 v2, v9;
	v11 =	vld.idx.msk [tilespmem:v11+s9+$0x0], $0xffff  }
0x3d: {  	v14 =	vshrl.u32 v12, $0x10;
	v8 =	vadd.s32 v2, v8;
	v10 =	vld.idx.msk [tilespmem:v10+s9+$0x0], $0xffff  }
0x3e: {  	v18 =	vperm.xlane v7, v4;
	v16 =	vshrl.u32 v13, $0x10;
	v14 =	vadd.s32 v2, v14  }
0x3f: {  	v17 =	vld [tilespmem:s17+$0x10];
	v20 =	vperm.xlane v6, v4;
	v6 =	vperm.xlane v6, v5;
	v16 =	vadd.s32 v2, v16  }
0x40: {  	v7 =	vperm.xlane v7, v5;
	v13 =	vand.u32 $0xFFFF, v13  }
0x41: {  	v12 =	vand.u32 $0xFFFF, v12;
	v19 =	vshrl.u32 v18, $0x10;
	v22 =	vshrl.u32 v6, $0x10;
	[tilespmem:v9+s12+$0x0] =	vst.idx.add.f32.msk $0xffff, v11  }
0x42: {  	v6 =	vand.u32 $0xFFFF, v6;
	v23 =	vshrl.u32 v7, $0x10;
	v27 =	vperm.xlane v15, v4;
	[tilespmem:v8+s12+$0x0] =	vst.idx.add.f32.msk $0xffff, v10  }
0x43: {  	s30 =	simm.s32 $0x40;
	s31 =	sadd.s32 $0x40, s16;
	v13 =	vadd.s32 v2, v13;
	v9 =	vadd.s32 v2, v12;
	v12 =	vperm.xlane v15, v1;
	v11 =	vld.idx.msk [tilespmem:v14+s9+$0x0], $0xffff  }
0x44: {  	s18 =	sand.u32 $0x7F80, s31;
	s17 =	sand.u32 $0x60, s30;
	v32 =	vshrl.u32 v27, $0x10;
	v8 =	vperm.xlane v17, v1;
	v10 =	vadd.s32 v2, v19;
	v16 =	vld.idx.msk [tilespmem:v16+s9+$0x0], $0xffff  }
0x45: {  	s17 =	sor.u32 s17, s18;
	v14 =	vand.u32 $0xFFFF, v18;
	v18 =	vshrl.u32 v20, $0x10;
	v19 =	vshrl.u32 v12, $0x10  }
0x46: {  	v31 =	vld [tilespmem:s17+$0x0];
	v21 =	vshrl.u32 v8, $0x10;
	v8 =	vand.u32 $0xFFFF, v8;
	v19 =	vadd.s32 v2, v19  }
0x47: {  	v21 =	vadd.s32 v2, v21;
	v28 =	vadd.s32 v2, v8;
	v8 =	vand.u32 $0xFFFF, v27;
	v27 =	vld [tilespmem:s17+$0x10]  }
0x48: {  	v24 =	vand.u32 $0xFFFF, v7;
	v7 =	vperm.xlane v17, v3;
	[tilespmem:v9+s12+$0x0] =	vst.idx.add.f32.msk $0xffff, v11;
	v9 =	vadd.s32 v2, v18  }
0x49: {  	v6 =	vadd.s32 v2, v6;
	[tilespmem:v13+s12+$0x0] =	vst.idx.add.f32.msk $0xffff, v16  }
0x4a: {  	v25 =	vand.u32 $0xFFFF, v7;
	v12 =	vand.u32 $0xFFFF, v12;
	v14 =	vadd.s32 v2, v14;
	v18 =	vld.idx.msk [tilespmem:v10+s9+$0x0], $0xffff  }
0x4b: {  	v20 =	vand.u32 $0xFFFF, v20;
	v12 =	vadd.s32 v2, v12;
	v11 =	vperm.xlane v15, v3;
	v19 =	vld.idx.msk [tilespmem:v19+s9+$0x0], $0xffff  }
0x4c: {  	v13 =	vshrl.u32 v7, $0x10;
	v15 =	vperm.xlane v15, v5;
	v10 =	vperm.xlane v17, v4;
	v21 =	vld.idx.msk [tilespmem:v21+s9+$0x0], $0xffff  }
0x4d: {  	v29 =	vadd.s32 v2, v13;
	v17 =	vperm.xlane v17, v5;
	v30 =	vld.idx.msk [tilespmem:v9+s9+$0x0], $0xffff;
	v9 =	vshrl.u32 v11, $0x10  }
0x4e: {  	v26 =	vshrl.u32 v10, $0x10;
	v7 =	vand.u32 $0xFFFF, v10;
	v33 =	vadd.s32 v2, v9  }
0x4f: {  	v10 =	vshrl.u32 v15, $0x10;
	v9 =	vand.u32 $0xFFFF, v15;
	v15 =	vadd.s32 v2, v20;
	[tilespmem:v14+s12+$0x0] =	vst.idx.add.f32.msk $0xffff, v18  }
0x50: {  	v36 =	vperm.xlane v31, v5;
	v16 =	vand.u32 $0xFFFF, v11;
	v20 =	vadd.s32 v2, v23;
	[tilespmem:v12+s12+$0x0] =	vst.idx.add.f32.msk $0xffff, v19  }
0x51: {  	v11 =	vshrl.u32 v17, $0x10;
	v23 =	vperm.xlane v31, v1;
	[tilespmem:v28+s12+$0x0] =	vst.idx.add.f32.msk $0xffff, v21;
	v19 =	vadd.s32 v2, v22  }
0x52: {  	v14 =	vperm.xlane v27, v1;
	v12 =	vand.u32 $0xFFFF, v17;
	v17 =	vadd.s32 v2, v25;
	v21 =	vld.idx.msk [tilespmem:v29+s9+$0x0], $0xffff  }
0x53: {  	v13 =	vadd.s32 v2, v24;
	v24 =	vadd.s32 v2, v26;
	v26 =	vshrl.u32 v23, $0x10;
	v18 =	vld.idx.msk [tilespmem:v33+s9+$0x0], $0xffff  }
0x54: {  	v32 =	vadd.s32 v2, v32;
	v34 =	vadd.s32 v2, v26;
	v26 =	vshrl.u32 v14, $0x10;
	[tilespmem:v15+s12+$0x0] =	vst.idx.add.f32.msk $0xffff, v30  }
0x55: {  	v63 =	vperm.xlane v27, v4;
	v25 =	vperm.xlane v27, v3;
	v35 =	vadd.s32 v2, v26;
	v30 =	vld.idx.msk [tilespmem:v20+s9+$0x0], $0xffff  }
0x56: {  	v37 =	vperm.xlane v27, v5;
	v22 =	vadd.s32 v2, v16;
	v16 =	vperm.xlane v31, v3;
	v15 =	vld.idx.msk [tilespmem:v19+s9+$0x0], $0xffff  }
0x57: {  	v23 =	vand.u32 $0xFFFF, v23;
	v29 =	vand.u32 $0xFFFF, v14;
	v28 =	vshrl.u32 v25, $0x10;
	[tilespmem:v17+s12+$0x0] =	vst.idx.add.f32.msk $0xffff, v21  }
0x58: {  	v19 =	vadd.s32 v2, v23;
	v23 =	vand.u32 $0xFFFF, v25;
	v25 =	vperm.xlane v31, v4;
	v21 =	vld.idx.msk [tilespmem:v24+s9+$0x0], $0xffff  }
0x59: {  	v26 =	vand.u32 $0xFFFF, v63;
	v20 =	vand.u32 $0xFFFF, v16;
	v17 =	vshrl.u32 v63, $0x10;
	v31 =	vld.idx.msk [tilespmem:v34+s9+$0x0], $0xffff  }
0x5a: {  	v14 =	vshrl.u32 v25, $0x10;
	v27 =	vand.u32 $0xFFFF, v25;
	v25 =	vshrl.u32 v36, $0x10;
	v33 =	vld.idx.msk [tilespmem:v35+s9+$0x0], $0xffff  }
0x5b: {  	s18 =	simm.s32 $0x60;
	s17 =	simm.s32 $0x4;
	v24 =	vshrl.u32 v37, $0x10;
	[tilespmem:v22+s12+$0x0] =	vst.idx.add.f32.msk $0xffff, v18;
	v22 =	vand.u32 $0xFFFF, v36;
	v18 =	vand.u32 $0xFFFF, v37  }
.LBB2_8:
0x5c: {  	s19 =	sadd.s32 s18, s16;
	s17 =	sadd.s32 $0x2, s17;
	[tilespmem:v13+s12+$0x0] =	vst.idx.add.f32.msk $0xffff, v30  }
0x5d: {  	s20 =	sand.u32 $0x60, s18;
	v13 =	vadd.s32 v2, v29;
	s19 =	sand.u32 $0x7F80, s19;
	p1 =	slt.u32 s17, $0x3E6;
	[tilespmem:v6+s12+$0x0] =	vst.idx.add.f32.msk $0xffff, v15  }
0x5e: {  	v15 =	vadd.s32 v2, v28;
	s19 =	sor.u32 s20, s19;
	v28 =	vld.idx.msk [tilespmem:v32+s9+$0x0], $0xffff  }
0x5f: {  	v29 =	vadd.s32 v2, v7;
	v7 =	vmov v26;
	v6 =	vshrl.u32 v16, $0x10;
	v32 =	vld [tilespmem:s19+$0x0]  }
0x60: {  	v26 =	vadd.s32 v2, v6;
	v34 =	vld [tilespmem:s19+$0x10]  }
0x61: {  	v6 =	vadd.s32 v2, v9;
	[tilespmem:v19+s12+$0x0] =	vst.idx.add.f32.msk $0xffff, v31;
	v19 =	vadd.s32 v2, v8;
	v8 =	vmov v27  }
0x62: {  	v27 =	vadd.s32 v2, v10;
	v10 =	vmov v25;
	[tilespmem:v13+s12+$0x0] =	vst.idx.add.f32.msk $0xffff, v33;
	v13 =	vadd.s32 v2, v12  }
0x63: {  	v25 =	vadd.s32 v2, v20;
	v31 =	vadd.s32 v2, v23;
	v20 =	vadd.s32 v2, v11;
	v33 =	vld.idx.msk [tilespmem:v15+s9+$0x0], $0xffff  }
0x64: {  	v9 =	vmov v22;
	v23 =	vperm.xlane v32, v1;
	v16 =	vperm.xlane v32, v3;
	[tilespmem:v29+s12+$0x0] =	vst.idx.add.f32.msk $0xffff, v21  }
0x65: {  	v36 =	vadd.s32 v2, v17;
	v21 =	vperm.xlane v34, v1;
	v22 =	vperm.xlane v34, v3;
	v35 =	vld.idx.msk [tilespmem:v26+s9+$0x0], $0xffff  }
0x66: {  	v11 =	vmovc v24;
	v26 =	vperm.xlane v34, v4;
	v29 =	vshrl.u32 v23, $0x10;
	v15 =	vand.u32 $0xFFFF, v23;
	[tilespmem:v19+s12+$0x0] =	vst.idx.add.f32.msk $0xffff, v28  }
0x67: {  	v12 =	vmovc v18;
	v24 =	vadd.s32 v2, v29;
	v19 =	vadd.s32 v2, v15;
	v17 =	vshrl.u32 v21, $0x10;
	v15 =	vld.idx.msk [tilespmem:v27+s9+$0x0], $0xffff  }
0x68: {  	v29 =	vand.u32 $0xFFFF, v21;
	v28 =	vshrl.u32 v22, $0x10;
	v18 =	vadd.s32 v2, v17;
	v30 =	vld.idx.msk [tilespmem:v20+s9+$0x0], $0xffff  }
.Ltmp2:
0x69: {  	v23 =	vand.u32 $0xFFFF, v22;
	v20 =	vand.u32 $0xFFFF, v16;
	v17 =	vshrl.u32 v26, $0x10;
	[tilespmem:v31+s12+$0x0] =	vst.idx.add.f32.msk $0xffff, v33;
	(pc) =	sbr.rel @p1 .LBB2_8-.Ltmp2, $4  }
0x6a: {  	v22 =	vperm.xlane v32, v4;
	v26 =	vand.u32 $0xFFFF, v26;
	v33 =	vperm.xlane v32, v5;
	v21 =	vld.idx.msk [tilespmem:v36+s9+$0x0], $0xffff  }
0x6b: {  	v34 =	vperm.xlane v34, v5;
	v32 =	vadd.s32 v2, v14;
	[tilespmem:v25+s12+$0x0] =	vst.idx.add.f32.msk $0xffff, v35  }
0x6c: {  	v14 =	vshrl.u32 v22, $0x10;
	v27 =	vand.u32 $0xFFFF, v22;
	v25 =	vshrl.u32 v33, $0x10;
	v31 =	vld.idx.msk [tilespmem:v24+s9+$0x0], $0xffff  }
0x6d: {  	s18 =	sadd.s32 $0x20, s18;
	v22 =	vand.u32 $0xFFFF, v33;
	v24 =	vshrl.u32 v34, $0x10;
	v33 =	vld.idx.msk [tilespmem:v18+s9+$0x0], $0xffff;
	v18 =	vand.u32 $0xFFFF, v34  }
0x6e: {  	v29 =	vadd.s32 v2, v29  }
0x6f: {  	v28 =	vadd.s32 v2, v28;
	v16 =	vshrl.u32 v16, $0x10  }
0x70: {  	v16 =	vadd.s32 v2, v16;
	_ =	sdelay $0x1  }
0x71: {  	[tilespmem:v19+s12+$0x0] =	vst.idx.add.f32.msk $0xffff, v31  }
0x72: {  	v7 =	vadd.s32 v2, v7;
	[tilespmem:v29+s12+$0x0] =	vst.idx.add.f32.msk $0xffff, v33  }
0x73: {  	v52 =	vadd.s32 v2, v23;
	v53 =	vld.idx.msk [tilespmem:v28+s9+$0x0], $0xffff  }
0x74: {  	v54 =	vadd.s32 v2, v20;
	v16 =	vld.idx.msk [tilespmem:v16+s9+$0x0], $0xffff  }
0x75: {  	[tilespmem:v13+s12+$0x0] =	vst.idx.add.f32.msk $0xffff, v30;
	v17 =	vadd.s32 v2, v17  }
0x76: {  	v55 =	vld.idx.msk [tilespmem:v32+s9+$0x0], $0xffff;
	v14 =	vadd.s32 v2, v14  }
0x77: {  	v8 =	vadd.s32 v2, v8;
	[tilespmem:v7+s12+$0x0] =	vst.idx.add.f32.msk $0xffff, v21  }
0x78: {  	v56 =	vadd.s32 v2, v11;
	[tilespmem:v52+s12+$0x0] =	vst.idx.add.f32.msk $0xffff, v53  }
0x79: {  	v7 =	vadd.s32 v2, v10;
	[tilespmem:v54+s12+$0x0] =	vst.idx.add.f32.msk $0xffff, v16  }
0x7a: {  	v58 =	vadd.s32 v2, v26;
	v57 =	vld.idx.msk [tilespmem:v17+s9+$0x0], $0xffff  }
0x7b: {  	v59 =	vadd.s32 v2, v27;
	v14 =	vld.idx.msk [tilespmem:v14+s9+$0x0], $0xffff  }
0x7c: {  	v60 =	vadd.s32 v2, v24;
	[tilespmem:v8+s12+$0x0] =	vst.idx.add.f32.msk $0xffff, v55  }
0x7d: {  	v61 =	vadd.s32 v2, v25;
	v10 =	vld.idx.msk [tilespmem:v56+s9+$0x0], $0xffff  }
0x7e: {  	v7 =	vld.idx.msk [tilespmem:v7+s9+$0x0], $0xffff  }
0x7f: {  	v12 =	vadd.s32 v2, v12;
	[tilespmem:v58+s12+$0x0] =	vst.idx.add.f32.msk $0xffff, v57  }
0x80: {  	v9 =	vadd.s32 v2, v9;
	[tilespmem:v59+s12+$0x0] =	vst.idx.add.f32.msk $0xffff, v14  }
0x81: {  	v62 =	vadd.s32 v2, v18;
	v8 =	vld.idx.msk [tilespmem:v60+s9+$0x0], $0xffff  }
0x82: {  	v63 =	vadd.s32 v2, v22;
	v14 =	vld.idx.msk [tilespmem:v61+s9+$0x0], $0xffff  }
0x83: {  	[tilespmem:v6+s12+$0x0] =	vst.idx.add.f32.msk $0xffff, v15  }
0x84: {  	[tilespmem:v12+s12+$0x0] =	vst.idx.add.f32.msk $0xffff, v10  }
0x85: {  	[tilespmem:v9+s12+$0x0] =	vst.idx.add.f32.msk $0xffff, v7  }
0x86: {  	[tilespmem:v62+s12+$0x0] =	vst.idx.add.f32.msk $0xffff, v8  }
0x87: {  	[tilespmem:v63+s12+$0x0] =	vst.idx.add.f32.msk $0xffff, v14  }
.Ltmp3:
0x88: {  	(pc) =	sbr.rel @!p0 .LBB2_7-.Ltmp3, $1  }
0x89: {  	_ =	sdelay $0x3  }
0x8a: {  	_ =	swait.ge [sflag:s11], $0x3E80;
	s2 =	sadd.s32 $0x1, s2  }
0x8b: {  	[sflag:s11] =	ssyncset.done $0x0;
	p0 =	sne.s32 s2, s6  }
.Ltmp4:
0x8c: {  	[sflag:s11] =	ssyncadd.s32 $0xFFFFC180;
	(pc) =	sbr.rel @p0 .LBB2_1-.Ltmp4, $4  }
0x8d: {  	[hbm4b:s5+s7] =	stream.strided.scatter [tilespmem:s12], [sflag:$0x3], $0x9C80, s8, s7, $0x38;
	[tilespmem:$0x1B600] =	vst v63  }
0x8e: {  	_ =	swait.ge [sflag:s13], $0x9C80  }
0x8f: {  	[sflag:s13] =	ssyncset.done $0x0  }
0x90: {  	[sflag:s13] =	ssyncadd.s32 $0xFFFF6380  }
0x91: {  	_ =	sfence.sel $0x180000  }
0x92: {  	[bflag:$0x0] =	sbarrier.arrive $0xFFFF  }
0x93: {  	p0 =	sne.s32 s1, $0x0;
	_ =	strace $0x90000047  }
0x94: {  	s0 =	sadd.s32 @!p0 $0x100000, s0;
	[bflag:$0x2] =	sbarrier.arrive $0xFFFF  }
0x95: {  	[sflag:s0] =	ssyncadd.tile.s32 @!p0 $0x1;
	_ =	shalt  }
.Lfunc_end2:
_tile_overlayer_lowered:
.L_overlay_start_2:
0x96: {  	(tag) =	ssettag $0x2  }
0x97: {  	s0 =	rddreg [dreg:$0x0];
	s2 =	stileid.u32  }
0x98: {  	s1 =	rddreg [dreg:$0x1];
	p0 =	sne.s32 s2, $0x0  }
0x99: {  	s3 =	rddreg [dreg:$0x2];
	[bflag:$0x3] =	sbarrier.arrive $0xFFFF;
	s2 =	simm.s32 @!p0 $0x1C03  }
0x9a: {  	[timem:s3], [sflag:s2] =	dma.local @!p0 [hbm:s0], s1  }
0x9b: {  	s0 =	simm.s32 @!p0 $0x3  }
0x9c: {  	_ =	swait.ge @!p0 [sflag:s0], s1  }
0x9d: {  	s1 =	ssub.s32 @!p0 $0x0, s1;
	[sflag:s0] =	ssyncset.done @!p0 $0x0  }
0x9e: {  	[sflag:s0] =	ssyncadd.s32 @!p0 s1  }
0x9f: {  	[bflag:$0x3] =	sbarrier.arrive $0xFFFF  }
0xa0: {  	_ =	shalt  }

</sc_bundles>
